<compile_context>
chip_gen: v7x
topology: tpu7x:2x2x1
jax: 0.10.2.dev20260603
libtpu: 0.0.44.dev20260713+nightly
codegen_flags: <defaults>
</compile_context>

<pallas_src>
import jax
import jax.numpy as jnp
from jax import lax
from jax.experimental import pallas as pl
from jax.experimental.pallas import tpu as pltpu
from jax.experimental.pallas import tpu_sc as plsc

N_ROWS = 16384 * 50
EMB = 64
CHUNK = 128
K = 4
NW = 32
ROWS_PER_W = N_ROWS // NW
NCHUNK = ROWS_PER_W // CHUNK
G = NCHUNK // K
IDX_HEAD = 2 * K


def _gather_kernel(idx_hbm, table_hbm, out_hbm, idx_v, bufs, *sems):
  gsems = sems[:2 * K]
  ssems = sems[2 * K:]
  cid = lax.axis_index("c")
  sid = lax.axis_index("s")
  wid = sid * 2 + cid
  idx_base = wid * NCHUNK
  out_base = wid * ROWS_PER_W

  def issue_gathers(g, half):
    for b in range(K):
      j = g * K + b
      pltpu.async_copy(table_hbm.at[idx_v.at[j]], bufs.at[half * K + b],
                       gsems[half * K + b])

  def issue_stores(g, half):
    for b in range(K):
      j = g * K + b
      pltpu.make_async_copy(table_hbm.at[idx_v.at[0]], bufs.at[half * K + b],
                            gsems[half * K + b]).wait()
      dst = out_hbm.at[pl.ds(out_base + j * CHUNK, CHUNK)]
      pltpu.async_copy(bufs.at[half * K + b], dst, ssems[half])

  def drain_stores(half):
    for b in range(K):
      pltpu.make_async_copy(bufs.at[half * K + b],
                            out_hbm.at[pl.ds(out_base, CHUNK)],
                            ssems[half]).wait()

  pltpu.sync_copy(idx_hbm.at[pl.ds(idx_base, IDX_HEAD)],
                  idx_v.at[pl.ds(0, IDX_HEAD)])
  issue_gathers(0, 0)
  issue_gathers(1, 1)
  pltpu.sync_copy(idx_hbm.at[pl.ds(idx_base + IDX_HEAD, NCHUNK - IDX_HEAD)],
                  idx_v.at[pl.ds(IDX_HEAD, NCHUNK - IDX_HEAD)])

  def body(i, carry):
    g0 = 2 * i
    issue_stores(g0, 0)
    drain_stores(0)
    issue_gathers(g0 + 2, 0)
    issue_stores(g0 + 1, 1)
    drain_stores(1)
    issue_gathers(g0 + 3, 1)
    return carry

  lax.fori_loop(0, (G - 2) // 2, body, 0)

  issue_stores(G - 2, 0)
  drain_stores(0)
  issue_stores(G - 1, 1)
  drain_stores(1)


@jax.jit
def _embedding_lookup(x, W):
  idx = x.reshape(N_ROWS // CHUNK, CHUNK).astype(jnp.int32)
  mesh = plsc.VectorSubcoreMesh(core_axis_name="c", subcore_axis_name="s")
  run = pl.kernel(
      _gather_kernel,
      out_type=jax.ShapeDtypeStruct((N_ROWS, EMB), jnp.float32),
      mesh=mesh,
      scratch_types=(
          [pltpu.VMEM((NCHUNK, CHUNK), jnp.int32),
           pltpu.VMEM((2 * K, CHUNK, EMB), jnp.float32)]
          + [pltpu.SemaphoreType.DMA] * (2 * K)
          + [pltpu.SemaphoreType.DMA] * 2
      ),
      compiler_params=pltpu.CompilerParams(use_tc_tiling_on_sc=False),
  )
  out = run(idx, W)
  return out


def kernel(x, W):
  return _embedding_lookup(x, W)

# --- scband reference (transcript-rebuilt; emitter-appended) ---
"""Pipeline reference for scband-embedding-4458176053675 (READ-ONLY COPY).

The authoritative reference and input builder live on the scoring server;
editing this copy changes nothing except your own understanding.
"""

import jax, jax.numpy as jnp
import numpy as np

N_TOKENS = 1000000
EMB_DIM = 64

def setup_inputs(seed: int = 0) -> dict:
    key = jax.random.key(seed)
    k_idx, k_w = jax.random.split(key)
    x = jax.random.randint(k_idx, (16384, 50), 0, N_TOKENS, dtype=jnp.int64 if jax.config.read('jax_enable_x64') else jnp.int32)
    # truncated-normal-ish init matching truncnorm.rvs(-t, t) with t = 1/sqrt(n_tokens)
    t = 1.0 / (N_TOKENS ** 0.5)
    W = jax.random.truncated_normal(k_w, -t, t, (N_TOKENS, EMB_DIM), dtype=jnp.float32)
    return {"x": x, "W": W}

def reference(x, W):
    # non-variational path: out = F.embedding(x, W) == W[x]
    return jnp.take(W, x, axis=0)

if __name__ == "__main__":
    import jax
    _d = setup_inputs()
    print(jax.jit(kernel)(*tuple(_d.values())))

</pallas_src>

<mosaic_0001>
#map = affine_map<(d0, d1) -> (0, 0)>
module attributes {stable_mosaic.version = 14 : i64} {
  func.func @_gather_kernel(%arg0: i32, %arg1: i32, %arg2: memref<6400x128xi32, #tpu.memory_space<hbm>>, %arg3: memref<1000000x64xf32, #tpu.memory_space<hbm>>, %arg4: memref<819200x64xf32, #tpu.memory_space<hbm>>, %arg5: memref<200x128xi32, #tpu.memory_space<vmem>>, %arg6: memref<8x128x64xf32, #tpu.memory_space<vmem>>, %arg7: memref<!tpu.dma_semaphore, #tpu.memory_space<semaphore_mem>>, %arg8: memref<!tpu.dma_semaphore, #tpu.memory_space<semaphore_mem>>, %arg9: memref<!tpu.dma_semaphore, #tpu.memory_space<semaphore_mem>>, %arg10: memref<!tpu.dma_semaphore, #tpu.memory_space<semaphore_mem>>, %arg11: memref<!tpu.dma_semaphore, #tpu.memory_space<semaphore_mem>>, %arg12: memref<!tpu.dma_semaphore, #tpu.memory_space<semaphore_mem>>, %arg13: memref<!tpu.dma_semaphore, #tpu.memory_space<semaphore_mem>>, %arg14: memref<!tpu.dma_semaphore, #tpu.memory_space<semaphore_mem>>, %arg15: memref<!tpu.dma_semaphore, #tpu.memory_space<semaphore_mem>>, %arg16: memref<!tpu.dma_semaphore, #tpu.memory_space<semaphore_mem>>) attributes {dimension_semantics = [#tpu.dimension_semantics<core_parallel>, #tpu.dimension_semantics<subcore_parallel>], iteration_bounds = array<i64: 2, 16>, scalar_prefetch = 0 : i64, scratch_operands = 12 : i64, tpu.core_type = #tpu.core_type<sc_vector_subcore>, window_params = [{transform_indices = #map}, {transform_indices = #map}, {transform_indices = #map}]} {
    %mul3A = arith.constant 2 : i32
    %mul3A_0 = arith.muli %arg1, %mul3A : i32
    %add3A = arith.addi %mul3A_0, %arg0 : i32
    %mul3A_1 = arith.constant 200 : i32
    %mul3A_2 = arith.muli %add3A, %mul3A_1 : i32
    %mul3A_3 = arith.constant 25600 : i32
    %mul3A_4 = arith.muli %add3A, %mul3A_3 : i32
    "tpu.region"() ({
      %run_scoped3A = tpu.sem_alloc : memref<!tpu.dma_semaphore, #tpu.memory_space<semaphore_mem>>
      %dma_start3A_426 = arith.constant 0 : i32
      %dma_start3A_427 = arith.constant 0 : i32
      %dma_start3A_428 = tpu.memref_slice %arg5[%dma_start3A_426, %dma_start3A_427] : memref<200x128xi32, #tpu.memory_space<vmem>> -> memref<8x128xi32, #tpu.memory_space<vmem>>
      %dma_start3A_429 = arith.constant 0 : i32
      %dma_start3A_430 = tpu.memref_slice %arg2[%mul3A_2, %dma_start3A_429] : memref<6400x128xi32, #tpu.memory_space<hbm>> -> memref<8x128xi32, #tpu.memory_space<hbm>>
      %dma_start3A_431 = arith.constant 0 : i32
      %dma_start3A_432 = arith.constant 0 : i32
      %dma_start3A_433 = tpu.memref_slice %arg5[%dma_start3A_431, %dma_start3A_432] : memref<200x128xi32, #tpu.memory_space<vmem>> -> memref<8x128xi32, #tpu.memory_space<vmem>>
      %dma_start3A_434 = arith.constant 0 : i32
      %dma_start3A_435 = tpu.memref_slice %arg2[%mul3A_2, %dma_start3A_434] : memref<6400x128xi32, #tpu.memory_space<hbm>> -> memref<8x128xi32, #tpu.memory_space<hbm>>
      tpu.enqueue_dma source(%dma_start3A_435 : memref<8x128xi32, #tpu.memory_space<hbm>>) target(%dma_start3A_433 : memref<8x128xi32, #tpu.memory_space<vmem>>) target_semaphore(%run_scoped3A : memref<!tpu.dma_semaphore, #tpu.memory_space<semaphore_mem>>)
      %dma_wait3A_436 = arith.constant 0 : i32
      %dma_wait3A_437 = arith.constant 0 : i32
      %dma_wait3A_438 = tpu.memref_slice %arg5[%dma_wait3A_436, %dma_wait3A_437] : memref<200x128xi32, #tpu.memory_space<vmem>> -> memref<8x128xi32, #tpu.memory_space<vmem>>
      %dma_wait3A_439 = arith.constant 0 : i32
      %dma_wait3A_440 = tpu.memref_slice %arg2[%mul3A_2, %dma_wait3A_439] : memref<6400x128xi32, #tpu.memory_space<hbm>> -> memref<8x128xi32, #tpu.memory_space<hbm>>
      %dma_wait3A_441 = arith.constant 0 : i32
      %dma_wait3A_442 = arith.constant 0 : i32
      %dma_wait3A_443 = tpu.memref_slice %arg5[%dma_wait3A_441, %dma_wait3A_442] : memref<200x128xi32, #tpu.memory_space<vmem>> -> memref<8x128xi32, #tpu.memory_space<vmem>>
      %dma_wait3A_444 = arith.constant 0 : i32
      %dma_wait3A_445 = tpu.memref_slice %arg2[%mul3A_2, %dma_wait3A_444] : memref<6400x128xi32, #tpu.memory_space<hbm>> -> memref<8x128xi32, #tpu.memory_space<hbm>>
      tpu.wait_dma2 semaphore(%run_scoped3A : memref<!tpu.dma_semaphore, #tpu.memory_space<semaphore_mem>>) src(%dma_wait3A_445 : memref<8x128xi32, #tpu.memory_space<hbm>>) dst(%dma_wait3A_443 : memref<8x128xi32, #tpu.memory_space<vmem>>)
      tpu.yield
    }) : () -> ()
    %dma_start3A = arith.constant 0 : i32
    %dma_start3A_5 = arith.constant 0 : i32
    %dma_start3A_6 = arith.constant 0 : i32
    %dma_start3A_7 = arith.constant 0 : i32
    %dma_start3A_8 = tpu.memref_slice %arg6[%dma_start3A_5, %dma_start3A_6, %dma_start3A_7] : memref<8x128x64xf32, #tpu.memory_space<vmem>> -> memref<1x128x64xf32, #tpu.memory_space<vmem>>
    %dma_start3A_9 = tpu.memref_squeeze %dma_start3A_8 : memref<1x128x64xf32, #tpu.memory_space<vmem>> -> memref<128x64xf32, #tpu.memory_space<vmem>>
    %dma_start3A_10 = arith.constant 0 : i32
    %dma_start3A_11 = tpu.memref_slice %arg5[%dma_start3A, %dma_start3A_10] : memref<200x128xi32, #tpu.memory_space<vmem>> -> memref<1x128xi32, #tpu.memory_space<vmem>>
    %dma_start3A_12 = tpu.memref_squeeze %dma_start3A_11 : memref<1x128xi32, #tpu.memory_space<vmem>> -> memref<128xi32, #tpu.memory_space<vmem>>
    %dma_start3A_13 = arith.constant 0 : i32
    %dma_start3A_14 = arith.constant 0 : i32
    %dma_start3A_15 = tpu.memref_slice %arg3[%dma_start3A_13, %dma_start3A_14] : memref<1000000x64xf32, #tpu.memory_space<hbm>> -> memref<1000000x64xf32, #tpu.memory_space<hbm>>
    tpu.enqueue_indirect_dma source(%dma_start3A_15 : memref<1000000x64xf32, #tpu.memory_space<hbm>>) target(%dma_start3A_9 : memref<128x64xf32, #tpu.memory_space<vmem>>) offsets(%dma_start3A_12 : memref<128xi32, #tpu.memory_space<vmem>>) semaphore(%arg7 : memref<!tpu.dma_semaphore, #tpu.memory_space<semaphore_mem>>)
    %dma_start3A_16 = arith.constant 1 : i32
    %dma_start3A_17 = arith.constant 1 : i32
    %dma_start3A_18 = arith.constant 0 : i32
    %dma_start3A_19 = arith.constant 0 : i32
    %dma_start3A_20 = tpu.memref_slice %arg6[%dma_start3A_17, %dma_start3A_18, %dma_start3A_19] : memref<8x128x64xf32, #tpu.memory_space<vmem>> -> memref<1x128x64xf32, #tpu.memory_space<vmem>>
    %dma_start3A_21 = tpu.memref_squeeze %dma_start3A_20 : memref<1x128x64xf32, #tpu.memory_space<vmem>> -> memref<128x64xf32, #tpu.memory_space<vmem>>
    %dma_start3A_22 = arith.constant 0 : i32
    %dma_start3A_23 = tpu.memref_slice %arg5[%dma_start3A_16, %dma_start3A_22] : memref<200x128xi32, #tpu.memory_space<vmem>> -> memref<1x128xi32, #tpu.memory_space<vmem>>
    %dma_start3A_24 = tpu.memref_squeeze %dma_start3A_23 : memref<1x128xi32, #tpu.memory_space<vmem>> -> memref<128xi32, #tpu.memory_space<vmem>>
    %dma_start3A_25 = arith.constant 0 : i32
    %dma_start3A_26 = arith.constant 0 : i32
    %dma_start3A_27 = tpu.memref_slice %arg3[%dma_start3A_25, %dma_start3A_26] : memref<1000000x64xf32, #tpu.memory_space<hbm>> -> memref<1000000x64xf32, #tpu.memory_space<hbm>>
    tpu.enqueue_indirect_dma source(%dma_start3A_27 : memref<1000000x64xf32, #tpu.memory_space<hbm>>) target(%dma_start3A_21 : memref<128x64xf32, #tpu.memory_space<vmem>>) offsets(%dma_start3A_24 : memref<128xi32, #tpu.memory_space<vmem>>) semaphore(%arg8 : memref<!tpu.dma_semaphore, #tpu.memory_space<semaphore_mem>>)
    %dma_start3A_28 = arith.constant 2 : i32
    %dma_start3A_29 = arith.constant 2 : i32
    %dma_start3A_30 = arith.constant 0 : i32
    %dma_start3A_31 = arith.constant 0 : i32
    %dma_start3A_32 = tpu.memref_slice %arg6[%dma_start3A_29, %dma_start3A_30, %dma_start3A_31] : memref<8x128x64xf32, #tpu.memory_space<vmem>> -> memref<1x128x64xf32, #tpu.memory_space<vmem>>
    %dma_start3A_33 = tpu.memref_squeeze %dma_start3A_32 : memref<1x128x64xf32, #tpu.memory_space<vmem>> -> memref<128x64xf32, #tpu.memory_space<vmem>>
    %dma_start3A_34 = arith.constant 0 : i32
    %dma_start3A_35 = tpu.memref_slice %arg5[%dma_start3A_28, %dma_start3A_34] : memref<200x128xi32, #tpu.memory_space<vmem>> -> memref<1x128xi32, #tpu.memory_space<vmem>>
    %dma_start3A_36 = tpu.memref_squeeze %dma_start3A_35 : memref<1x128xi32, #tpu.memory_space<vmem>> -> memref<128xi32, #tpu.memory_space<vmem>>
    %dma_start3A_37 = arith.constant 0 : i32
    %dma_start3A_38 = arith.constant 0 : i32
    %dma_start3A_39 = tpu.memref_slice %arg3[%dma_start3A_37, %dma_start3A_38] : memref<1000000x64xf32, #tpu.memory_space<hbm>> -> memref<1000000x64xf32, #tpu.memory_space<hbm>>
    tpu.enqueue_indirect_dma source(%dma_start3A_39 : memref<1000000x64xf32, #tpu.memory_space<hbm>>) target(%dma_start3A_33 : memref<128x64xf32, #tpu.memory_space<vmem>>) offsets(%dma_start3A_36 : memref<128xi32, #tpu.memory_space<vmem>>) semaphore(%arg9 : memref<!tpu.dma_semaphore, #tpu.memory_space<semaphore_mem>>)
    %dma_start3A_40 = arith.constant 3 : i32
    %dma_start3A_41 = arith.constant 3 : i32
    %dma_start3A_42 = arith.constant 0 : i32
    %dma_start3A_43 = arith.constant 0 : i32
    %dma_start3A_44 = tpu.memref_slice %arg6[%dma_start3A_41, %dma_start3A_42, %dma_start3A_43] : memref<8x128x64xf32, #tpu.memory_space<vmem>> -> memref<1x128x64xf32, #tpu.memory_space<vmem>>
    %dma_start3A_45 = tpu.memref_squeeze %dma_start3A_44 : memref<1x128x64xf32, #tpu.memory_space<vmem>> -> memref<128x64xf32, #tpu.memory_space<vmem>>
    %dma_start3A_46 = arith.constant 0 : i32
    %dma_start3A_47 = tpu.memref_slice %arg5[%dma_start3A_40, %dma_start3A_46] : memref<200x128xi32, #tpu.memory_space<vmem>> -> memref<1x128xi32, #tpu.memory_space<vmem>>
    %dma_start3A_48 = tpu.memref_squeeze %dma_start3A_47 : memref<1x128xi32, #tpu.memory_space<vmem>> -> memref<128xi32, #tpu.memory_space<vmem>>
    %dma_start3A_49 = arith.constant 0 : i32
    %dma_start3A_50 = arith.constant 0 : i32
    %dma_start3A_51 = tpu.memref_slice %arg3[%dma_start3A_49, %dma_start3A_50] : memref<1000000x64xf32, #tpu.memory_space<hbm>> -> memref<1000000x64xf32, #tpu.memory_space<hbm>>
    tpu.enqueue_indirect_dma source(%dma_start3A_51 : memref<1000000x64xf32, #tpu.memory_space<hbm>>) target(%dma_start3A_45 : memref<128x64xf32, #tpu.memory_space<vmem>>) offsets(%dma_start3A_48 : memref<128xi32, #tpu.memory_space<vmem>>) semaphore(%arg10 : memref<!tpu.dma_semaphore, #tpu.memory_space<semaphore_mem>>)
    %dma_start3A_52 = arith.constant 4 : i32
    %dma_start3A_53 = arith.constant 4 : i32
    %dma_start3A_54 = arith.constant 0 : i32
    %dma_start3A_55 = arith.constant 0 : i32
    %dma_start3A_56 = tpu.memref_slice %arg6[%dma_start3A_53, %dma_start3A_54, %dma_start3A_55] : memref<8x128x64xf32, #tpu.memory_space<vmem>> -> memref<1x128x64xf32, #tpu.memory_space<vmem>>
    %dma_start3A_57 = tpu.memref_squeeze %dma_start3A_56 : memref<1x128x64xf32, #tpu.memory_space<vmem>> -> memref<128x64xf32, #tpu.memory_space<vmem>>
    %dma_start3A_58 = arith.constant 0 : i32
    %dma_start3A_59 = tpu.memref_slice %arg5[%dma_start3A_52, %dma_start3A_58] : memref<200x128xi32, #tpu.memory_space<vmem>> -> memref<1x128xi32, #tpu.memory_space<vmem>>
    %dma_start3A_60 = tpu.memref_squeeze %dma_start3A_59 : memref<1x128xi32, #tpu.memory_space<vmem>> -> memref<128xi32, #tpu.memory_space<vmem>>
    %dma_start3A_61 = arith.constant 0 : i32
    %dma_start3A_62 = arith.constant 0 : i32
    %dma_start3A_63 = tpu.memref_slice %arg3[%dma_start3A_61, %dma_start3A_62] : memref<1000000x64xf32, #tpu.memory_space<hbm>> -> memref<1000000x64xf32, #tpu.memory_space<hbm>>
    tpu.enqueue_indirect_dma source(%dma_start3A_63 : memref<1000000x64xf32, #tpu.memory_space<hbm>>) target(%dma_start3A_57 : memref<128x64xf32, #tpu.memory_space<vmem>>) offsets(%dma_start3A_60 : memref<128xi32, #tpu.memory_space<vmem>>) semaphore(%arg11 : memref<!tpu.dma_semaphore, #tpu.memory_space<semaphore_mem>>)
    %dma_start3A_64 = arith.constant 5 : i32
    %dma_start3A_65 = arith.constant 5 : i32
    %dma_start3A_66 = arith.constant 0 : i32
    %dma_start3A_67 = arith.constant 0 : i32
    %dma_start3A_68 = tpu.memref_slice %arg6[%dma_start3A_65, %dma_start3A_66, %dma_start3A_67] : memref<8x128x64xf32, #tpu.memory_space<vmem>> -> memref<1x128x64xf32, #tpu.memory_space<vmem>>
    %dma_start3A_69 = tpu.memref_squeeze %dma_start3A_68 : memref<1x128x64xf32, #tpu.memory_space<vmem>> -> memref<128x64xf32, #tpu.memory_space<vmem>>
    %dma_start3A_70 = arith.constant 0 : i32
    %dma_start3A_71 = tpu.memref_slice %arg5[%dma_start3A_64, %dma_start3A_70] : memref<200x128xi32, #tpu.memory_space<vmem>> -> memref<1x128xi32, #tpu.memory_space<vmem>>
    %dma_start3A_72 = tpu.memref_squeeze %dma_start3A_71 : memref<1x128xi32, #tpu.memory_space<vmem>> -> memref<128xi32, #tpu.memory_space<vmem>>
    %dma_start3A_73 = arith.constant 0 : i32
    %dma_start3A_74 = arith.constant 0 : i32
    %dma_start3A_75 = tpu.memref_slice %arg3[%dma_start3A_73, %dma_start3A_74] : memref<1000000x64xf32, #tpu.memory_space<hbm>> -> memref<1000000x64xf32, #tpu.memory_space<hbm>>
    tpu.enqueue_indirect_dma source(%dma_start3A_75 : memref<1000000x64xf32, #tpu.memory_space<hbm>>) target(%dma_start3A_69 : memref<128x64xf32, #tpu.memory_space<vmem>>) offsets(%dma_start3A_72 : memref<128xi32, #tpu.memory_space<vmem>>) semaphore(%arg12 : memref<!tpu.dma_semaphore, #tpu.memory_space<semaphore_mem>>)
    %dma_start3A_76 = arith.constant 6 : i32
    %dma_start3A_77 = arith.constant 6 : i32
    %dma_start3A_78 = arith.constant 0 : i32
    %dma_start3A_79 = arith.constant 0 : i32
    %dma_start3A_80 = tpu.memref_slice %arg6[%dma_start3A_77, %dma_start3A_78, %dma_start3A_79] : memref<8x128x64xf32, #tpu.memory_space<vmem>> -> memref<1x128x64xf32, #tpu.memory_space<vmem>>
    %dma_start3A_81 = tpu.memref_squeeze %dma_start3A_80 : memref<1x128x64xf32, #tpu.memory_space<vmem>> -> memref<128x64xf32, #tpu.memory_space<vmem>>
    %dma_start3A_82 = arith.constant 0 : i32
    %dma_start3A_83 = tpu.memref_slice %arg5[%dma_start3A_76, %dma_start3A_82] : memref<200x128xi32, #tpu.memory_space<vmem>> -> memref<1x128xi32, #tpu.memory_space<vmem>>
    %dma_start3A_84 = tpu.memref_squeeze %dma_start3A_83 : memref<1x128xi32, #tpu.memory_space<vmem>> -> memref<128xi32, #tpu.memory_space<vmem>>
    %dma_start3A_85 = arith.constant 0 : i32
    %dma_start3A_86 = arith.constant 0 : i32
    %dma_start3A_87 = tpu.memref_slice %arg3[%dma_start3A_85, %dma_start3A_86] : memref<1000000x64xf32, #tpu.memory_space<hbm>> -> memref<1000000x64xf32, #tpu.memory_space<hbm>>
    tpu.enqueue_indirect_dma source(%dma_start3A_87 : memref<1000000x64xf32, #tpu.memory_space<hbm>>) target(%dma_start3A_81 : memref<128x64xf32, #tpu.memory_space<vmem>>) offsets(%dma_start3A_84 : memref<128xi32, #tpu.memory_space<vmem>>) semaphore(%arg13 : memref<!tpu.dma_semaphore, #tpu.memory_space<semaphore_mem>>)
    %dma_start3A_88 = arith.constant 7 : i32
    %dma_start3A_89 = arith.constant 7 : i32
    %dma_start3A_90 = arith.constant 0 : i32
    %dma_start3A_91 = arith.constant 0 : i32
    %dma_start3A_92 = tpu.memref_slice %arg6[%dma_start3A_89, %dma_start3A_90, %dma_start3A_91] : memref<8x128x64xf32, #tpu.memory_space<vmem>> -> memref<1x128x64xf32, #tpu.memory_space<vmem>>
    %dma_start3A_93 = tpu.memref_squeeze %dma_start3A_92 : memref<1x128x64xf32, #tpu.memory_space<vmem>> -> memref<128x64xf32, #tpu.memory_space<vmem>>
    %dma_start3A_94 = arith.constant 0 : i32
    %dma_start3A_95 = tpu.memref_slice %arg5[%dma_start3A_88, %dma_start3A_94] : memref<200x128xi32, #tpu.memory_space<vmem>> -> memref<1x128xi32, #tpu.memory_space<vmem>>
    %dma_start3A_96 = tpu.memref_squeeze %dma_start3A_95 : memref<1x128xi32, #tpu.memory_space<vmem>> -> memref<128xi32, #tpu.memory_space<vmem>>
    %dma_start3A_97 = arith.constant 0 : i32
    %dma_start3A_98 = arith.constant 0 : i32
    %dma_start3A_99 = tpu.memref_slice %arg3[%dma_start3A_97, %dma_start3A_98] : memref<1000000x64xf32, #tpu.memory_space<hbm>> -> memref<1000000x64xf32, #tpu.memory_space<hbm>>
    tpu.enqueue_indirect_dma source(%dma_start3A_99 : memref<1000000x64xf32, #tpu.memory_space<hbm>>) target(%dma_start3A_93 : memref<128x64xf32, #tpu.memory_space<vmem>>) offsets(%dma_start3A_96 : memref<128xi32, #tpu.memory_space<vmem>>) semaphore(%arg14 : memref<!tpu.dma_semaphore, #tpu.memory_space<semaphore_mem>>)
    %add3A_100 = arith.constant 8 : i32
    %add3A_101 = arith.addi %mul3A_2, %add3A_100 : i32
    "tpu.region"() ({
      %run_scoped3A = tpu.sem_alloc : memref<!tpu.dma_semaphore, #tpu.memory_space<semaphore_mem>>
      %dma_start3A_426 = arith.constant 8 : i32
      %dma_start3A_427 = arith.constant 0 : i32
      %dma_start3A_428 = tpu.memref_slice %arg5[%dma_start3A_426, %dma_start3A_427] : memref<200x128xi32, #tpu.memory_space<vmem>> -> memref<192x128xi32, #tpu.memory_space<vmem>>
      %dma_start3A_429 = arith.constant 0 : i32
      %dma_start3A_430 = tpu.memref_slice %arg2[%add3A_101, %dma_start3A_429] : memref<6400x128xi32, #tpu.memory_space<hbm>> -> memref<192x128xi32, #tpu.memory_space<hbm>>
      %dma_start3A_431 = arith.constant 8 : i32
      %dma_start3A_432 = arith.constant 0 : i32
      %dma_start3A_433 = tpu.memref_slice %arg5[%dma_start3A_431, %dma_start3A_432] : memref<200x128xi32, #tpu.memory_space<vmem>> -> memref<192x128xi32, #tpu.memory_space<vmem>>
      %dma_start3A_434 = arith.constant 0 : i32
      %dma_start3A_435 = tpu.memref_slice %arg2[%add3A_101, %dma_start3A_434] : memref<6400x128xi32, #tpu.memory_space<hbm>> -> memref<192x128xi32, #tpu.memory_space<hbm>>
      tpu.enqueue_dma source(%dma_start3A_435 : memref<192x128xi32, #tpu.memory_space<hbm>>) target(%dma_start3A_433 : memref<192x128xi32, #tpu.memory_space<vmem>>) target_semaphore(%run_scoped3A : memref<!tpu.dma_semaphore, #tpu.memory_space<semaphore_mem>>)
      %dma_wait3A_436 = arith.constant 8 : i32
      %dma_wait3A_437 = arith.constant 0 : i32
      %dma_wait3A_438 = tpu.memref_slice %arg5[%dma_wait3A_436, %dma_wait3A_437] : memref<200x128xi32, #tpu.memory_space<vmem>> -> memref<192x128xi32, #tpu.memory_space<vmem>>
      %dma_wait3A_439 = arith.constant 0 : i32
      %dma_wait3A_440 = tpu.memref_slice %arg2[%add3A_101, %dma_wait3A_439] : memref<6400x128xi32, #tpu.memory_space<hbm>> -> memref<192x128xi32, #tpu.memory_space<hbm>>
      %dma_wait3A_441 = arith.constant 8 : i32
      %dma_wait3A_442 = arith.constant 0 : i32
      %dma_wait3A_443 = tpu.memref_slice %arg5[%dma_wait3A_441, %dma_wait3A_442] : memref<200x128xi32, #tpu.memory_space<vmem>> -> memref<192x128xi32, #tpu.memory_space<vmem>>
      %dma_wait3A_444 = arith.constant 0 : i32
      %dma_wait3A_445 = tpu.memref_slice %arg2[%add3A_101, %dma_wait3A_444] : memref<6400x128xi32, #tpu.memory_space<hbm>> -> memref<192x128xi32, #tpu.memory_space<hbm>>
      tpu.wait_dma2 semaphore(%run_scoped3A : memref<!tpu.dma_semaphore, #tpu.memory_space<semaphore_mem>>) src(%dma_wait3A_445 : memref<192x128xi32, #tpu.memory_space<hbm>>) dst(%dma_wait3A_443 : memref<192x128xi32, #tpu.memory_space<vmem>>)
      tpu.yield
    }) : () -> ()
    %scan3A = arith.constant 0 : i32
    %scan3A_102 = arith.constant 0 : i32
    %scan3A_103 = arith.constant 24 : i32
    %scan3A_104 = arith.addi %scan3A_102, %scan3A_103 : i32
    %scan3A_105 = arith.constant 1 : i32
    scf.for %scan3A_426 = %scan3A_102 to %scan3A_104 step %scan3A_105  : i32 {
      %mul3A_427 = arith.constant 2 : i32
      %mul3A_428 = arith.muli %mul3A_427, %scan3A_426 : i32
      %mul3A_429 = arith.constant 4 : i32
      %mul3A_430 = arith.muli %mul3A_428, %mul3A_429 : i32
      %add3A_431 = arith.constant 0 : i32
      %add3A_432 = arith.addi %mul3A_430, %add3A_431 : i32
      %dma_wait3A_433 = arith.constant 0 : i32
      %dma_wait3A_434 = arith.constant 0 : i32
      %dma_wait3A_435 = arith.constant 0 : i32
      %dma_wait3A_436 = arith.constant 0 : i32
      %dma_wait3A_437 = tpu.memref_slice %arg6[%dma_wait3A_434, %dma_wait3A_435, %dma_wait3A_436] : memref<8x128x64xf32, #tpu.memory_space<vmem>> -> memref<1x128x64xf32, #tpu.memory_space<vmem>>
      %dma_wait3A_438 = tpu.memref_squeeze %dma_wait3A_437 : memref<1x128x64xf32, #tpu.memory_space<vmem>> -> memref<128x64xf32, #tpu.memory_space<vmem>>
      %dma_wait3A_439 = arith.constant 0 : i32
      %dma_wait3A_440 = tpu.memref_slice %arg5[%dma_wait3A_433, %dma_wait3A_439] : memref<200x128xi32, #tpu.memory_space<vmem>> -> memref<1x128xi32, #tpu.memory_space<vmem>>
      %dma_wait3A_441 = tpu.memref_squeeze %dma_wait3A_440 : memref<1x128xi32, #tpu.memory_space<vmem>> -> memref<128xi32, #tpu.memory_space<vmem>>
      %dma_wait3A_442 = arith.constant 0 : i32
      %dma_wait3A_443 = arith.constant 0 : i32
      %dma_wait3A_444 = tpu.memref_slice %arg3[%dma_wait3A_442, %dma_wait3A_443] : memref<1000000x64xf32, #tpu.memory_space<hbm>> -> memref<1000000x64xf32, #tpu.memory_space<hbm>>
      tpu.wait_indirect_dma semaphore(%arg7 : memref<!tpu.dma_semaphore, #tpu.memory_space<semaphore_mem>>) src(%dma_wait3A_444 : memref<1000000x64xf32, #tpu.memory_space<hbm>>) dst(%dma_wait3A_438 : memref<128x64xf32, #tpu.memory_space<vmem>>)
      %mul3A_445 = arith.constant 128 : i32
      %mul3A_446 = arith.muli %add3A_432, %mul3A_445 : i32
      %add3A_447 = arith.addi %mul3A_4, %mul3A_446 : i32
      %dma_start3A_448 = arith.constant 0 : i32
      %dma_start3A_449 = arith.constant 0 : i32
      %dma_start3A_450 = arith.constant 0 : i32
      %dma_start3A_451 = tpu.memref_slice %arg6[%dma_start3A_448, %dma_start3A_449, %dma_start3A_450] : memref<8x128x64xf32, #tpu.memory_space<vmem>> -> memref<1x128x64xf32, #tpu.memory_space<vmem>>
      %dma_start3A_452 = tpu.memref_squeeze %dma_start3A_451 : memref<1x128x64xf32, #tpu.memory_space<vmem>> -> memref<128x64xf32, #tpu.memory_space<vmem>>
      %dma_start3A_453 = arith.constant 0 : i32
      %dma_start3A_454 = tpu.memref_slice %arg4[%add3A_447, %dma_start3A_453] : memref<819200x64xf32, #tpu.memory_space<hbm>> -> memref<128x64xf32, #tpu.memory_space<hbm>>
      %dma_start3A_455 = arith.constant 0 : i32
      %dma_start3A_456 = tpu.memref_slice %arg4[%add3A_447, %dma_start3A_455] : memref<819200x64xf32, #tpu.memory_space<hbm>> -> memref<128x64xf32, #tpu.memory_space<hbm>>
      %dma_start3A_457 = arith.constant 0 : i32
      %dma_start3A_458 = arith.constant 0 : i32
      %dma_start3A_459 = tpu.memref_slice %arg6[%dma_start3A_448, %dma_start3A_457, %dma_start3A_458] : memref<8x128x64xf32, #tpu.memory_space<vmem>> -> memref<1x128x64xf32, #tpu.memory_space<vmem>>
      %dma_start3A_460 = tpu.memref_squeeze %dma_start3A_459 : memref<1x128x64xf32, #tpu.memory_space<vmem>> -> memref<128x64xf32, #tpu.memory_space<vmem>>
      tpu.enqueue_dma source(%dma_start3A_460 : memref<128x64xf32, #tpu.memory_space<vmem>>) target(%dma_start3A_456 : memref<128x64xf32, #tpu.memory_space<hbm>>) target_semaphore(%arg15 : memref<!tpu.dma_semaphore, #tpu.memory_space<semaphore_mem>>)
      %mul3A_461 = arith.constant 4 : i32
      %mul3A_462 = arith.muli %mul3A_428, %mul3A_461 : i32
      %add3A_463 = arith.constant 1 : i32
      %add3A_464 = arith.addi %mul3A_462, %add3A_463 : i32
      %dma_wait3A_465 = arith.constant 0 : i32
      %dma_wait3A_466 = arith.constant 1 : i32
      %dma_wait3A_467 = arith.constant 0 : i32
      %dma_wait3A_468 = arith.constant 0 : i32
      %dma_wait3A_469 = tpu.memref_slice %arg6[%dma_wait3A_466, %dma_wait3A_467, %dma_wait3A_468] : memref<8x128x64xf32, #tpu.memory_space<vmem>> -> memref<1x128x64xf32, #tpu.memory_space<vmem>>
      %dma_wait3A_470 = tpu.memref_squeeze %dma_wait3A_469 : memref<1x128x64xf32, #tpu.memory_space<vmem>> -> memref<128x64xf32, #tpu.memory_space<vmem>>
      %dma_wait3A_471 = arith.constant 0 : i32
      %dma_wait3A_472 = tpu.memref_slice %arg5[%dma_wait3A_465, %dma_wait3A_471] : memref<200x128xi32, #tpu.memory_space<vmem>> -> memref<1x128xi32, #tpu.memory_space<vmem>>
      %dma_wait3A_473 = tpu.memref_squeeze %dma_wait3A_472 : memref<1x128xi32, #tpu.memory_space<vmem>> -> memref<128xi32, #tpu.memory_space<vmem>>
      %dma_wait3A_474 = arith.constant 0 : i32
      %dma_wait3A_475 = arith.constant 0 : i32
      %dma_wait3A_476 = tpu.memref_slice %arg3[%dma_wait3A_474, %dma_wait3A_475] : memref<1000000x64xf32, #tpu.memory_space<hbm>> -> memref<1000000x64xf32, #tpu.memory_space<hbm>>
      tpu.wait_indirect_dma semaphore(%arg8 : memref<!tpu.dma_semaphore, #tpu.memory_space<semaphore_mem>>) src(%dma_wait3A_476 : memref<1000000x64xf32, #tpu.memory_space<hbm>>) dst(%dma_wait3A_470 : memref<128x64xf32, #tpu.memory_space<vmem>>)
      %mul3A_477 = arith.constant 128 : i32
      %mul3A_478 = arith.muli %add3A_464, %mul3A_477 : i32
      %add3A_479 = arith.addi %mul3A_4, %mul3A_478 : i32
      %dma_start3A_480 = arith.constant 1 : i32
      %dma_start3A_481 = arith.constant 0 : i32
      %dma_start3A_482 = arith.constant 0 : i32
      %dma_start3A_483 = tpu.memref_slice %arg6[%dma_start3A_480, %dma_start3A_481, %dma_start3A_482] : memref<8x128x64xf32, #tpu.memory_space<vmem>> -> memref<1x128x64xf32, #tpu.memory_space<vmem>>
      %dma_start3A_484 = tpu.memref_squeeze %dma_start3A_483 : memref<1x128x64xf32, #tpu.memory_space<vmem>> -> memref<128x64xf32, #tpu.memory_space<vmem>>
      %dma_start3A_485 = arith.constant 0 : i32
      %dma_start3A_486 = tpu.memref_slice %arg4[%add3A_479, %dma_start3A_485] : memref<819200x64xf32, #tpu.memory_space<hbm>> -> memref<128x64xf32, #tpu.memory_space<hbm>>
      %dma_start3A_487 = arith.constant 0 : i32
      %dma_start3A_488 = tpu.memref_slice %arg4[%add3A_479, %dma_start3A_487] : memref<819200x64xf32, #tpu.memory_space<hbm>> -> memref<128x64xf32, #tpu.memory_space<hbm>>
      %dma_start3A_489 = arith.constant 0 : i32
      %dma_start3A_490 = arith.constant 0 : i32
      %dma_start3A_491 = tpu.memref_slice %arg6[%dma_start3A_480, %dma_start3A_489, %dma_start3A_490] : memref<8x128x64xf32, #tpu.memory_space<vmem>> -> memref<1x128x64xf32, #tpu.memory_space<vmem>>
      %dma_start3A_492 = tpu.memref_squeeze %dma_start3A_491 : memref<1x128x64xf32, #tpu.memory_space<vmem>> -> memref<128x64xf32, #tpu.memory_space<vmem>>
      tpu.enqueue_dma source(%dma_start3A_492 : memref<128x64xf32, #tpu.memory_space<vmem>>) target(%dma_start3A_488 : memref<128x64xf32, #tpu.memory_space<hbm>>) target_semaphore(%arg15 : memref<!tpu.dma_semaphore, #tpu.memory_space<semaphore_mem>>)
      %mul3A_493 = arith.constant 4 : i32
      %mul3A_494 = arith.muli %mul3A_428, %mul3A_493 : i32
      %add3A_495 = arith.constant 2 : i32
      %add3A_496 = arith.addi %mul3A_494, %add3A_495 : i32
      %dma_wait3A_497 = arith.constant 0 : i32
      %dma_wait3A_498 = arith.constant 2 : i32
      %dma_wait3A_499 = arith.constant 0 : i32
      %dma_wait3A_500 = arith.constant 0 : i32
      %dma_wait3A_501 = tpu.memref_slice %arg6[%dma_wait3A_498, %dma_wait3A_499, %dma_wait3A_500] : memref<8x128x64xf32, #tpu.memory_space<vmem>> -> memref<1x128x64xf32, #tpu.memory_space<vmem>>
      %dma_wait3A_502 = tpu.memref_squeeze %dma_wait3A_501 : memref<1x128x64xf32, #tpu.memory_space<vmem>> -> memref<128x64xf32, #tpu.memory_space<vmem>>
      %dma_wait3A_503 = arith.constant 0 : i32
      %dma_wait3A_504 = tpu.memref_slice %arg5[%dma_wait3A_497, %dma_wait3A_503] : memref<200x128xi32, #tpu.memory_space<vmem>> -> memref<1x128xi32, #tpu.memory_space<vmem>>
      %dma_wait3A_505 = tpu.memref_squeeze %dma_wait3A_504 : memref<1x128xi32, #tpu.memory_space<vmem>> -> memref<128xi32, #tpu.memory_space<vmem>>
      %dma_wait3A_506 = arith.constant 0 : i32
      %dma_wait3A_507 = arith.constant 0 : i32
      %dma_wait3A_508 = tpu.memref_slice %arg3[%dma_wait3A_506, %dma_wait3A_507] : memref<1000000x64xf32, #tpu.memory_space<hbm>> -> memref<1000000x64xf32, #tpu.memory_space<hbm>>
      tpu.wait_indirect_dma semaphore(%arg9 : memref<!tpu.dma_semaphore, #tpu.memory_space<semaphore_mem>>) src(%dma_wait3A_508 : memref<1000000x64xf32, #tpu.memory_space<hbm>>) dst(%dma_wait3A_502 : memref<128x64xf32, #tpu.memory_space<vmem>>)
      %mul3A_509 = arith.constant 128 : i32
      %mul3A_510 = arith.muli %add3A_496, %mul3A_509 : i32
      %add3A_511 = arith.addi %mul3A_4, %mul3A_510 : i32
      %dma_start3A_512 = arith.constant 2 : i32
      %dma_start3A_513 = arith.constant 0 : i32
      %dma_start3A_514 = arith.constant 0 : i32
      %dma_start3A_515 = tpu.memref_slice %arg6[%dma_start3A_512, %dma_start3A_513, %dma_start3A_514] : memref<8x128x64xf32, #tpu.memory_space<vmem>> -> memref<1x128x64xf32, #tpu.memory_space<vmem>>
      %dma_start3A_516 = tpu.memref_squeeze %dma_start3A_515 : memref<1x128x64xf32, #tpu.memory_space<vmem>> -> memref<128x64xf32, #tpu.memory_space<vmem>>
      %dma_start3A_517 = arith.constant 0 : i32
      %dma_start3A_518 = tpu.memref_slice %arg4[%add3A_511, %dma_start3A_517] : memref<819200x64xf32, #tpu.memory_space<hbm>> -> memref<128x64xf32, #tpu.memory_space<hbm>>
      %dma_start3A_519 = arith.constant 0 : i32
      %dma_start3A_520 = tpu.memref_slice %arg4[%add3A_511, %dma_start3A_519] : memref<819200x64xf32, #tpu.memory_space<hbm>> -> memref<128x64xf32, #tpu.memory_space<hbm>>
      %dma_start3A_521 = arith.constant 0 : i32
      %dma_start3A_522 = arith.constant 0 : i32
      %dma_start3A_523 = tpu.memref_slice %arg6[%dma_start3A_512, %dma_start3A_521, %dma_start3A_522] : memref<8x128x64xf32, #tpu.memory_space<vmem>> -> memref<1x128x64xf32, #tpu.memory_space<vmem>>
      %dma_start3A_524 = tpu.memref_squeeze %dma_start3A_523 : memref<1x128x64xf32, #tpu.memory_space<vmem>> -> memref<128x64xf32, #tpu.memory_space<vmem>>
      tpu.enqueue_dma source(%dma_start3A_524 : memref<128x64xf32, #tpu.memory_space<vmem>>) target(%dma_start3A_520 : memref<128x64xf32, #tpu.memory_space<hbm>>) target_semaphore(%arg15 : memref<!tpu.dma_semaphore, #tpu.memory_space<semaphore_mem>>)
      %mul3A_525 = arith.constant 4 : i32
      %mul3A_526 = arith.muli %mul3A_428, %mul3A_525 : i32
      %add3A_527 = arith.constant 3 : i32
      %add3A_528 = arith.addi %mul3A_526, %add3A_527 : i32
      %dma_wait3A_529 = arith.constant 0 : i32
      %dma_wait3A_530 = arith.constant 3 : i32
      %dma_wait3A_531 = arith.constant 0 : i32
      %dma_wait3A_532 = arith.constant 0 : i32
      %dma_wait3A_533 = tpu.memref_slice %arg6[%dma_wait3A_530, %dma_wait3A_531, %dma_wait3A_532] : memref<8x128x64xf32, #tpu.memory_space<vmem>> -> memref<1x128x64xf32, #tpu.memory_space<vmem>>
      %dma_wait3A_534 = tpu.memref_squeeze %dma_wait3A_533 : memref<1x128x64xf32, #tpu.memory_space<vmem>> -> memref<128x64xf32, #tpu.memory_space<vmem>>
      %dma_wait3A_535 = arith.constant 0 : i32
      %dma_wait3A_536 = tpu.memref_slice %arg5[%dma_wait3A_529, %dma_wait3A_535] : memref<200x128xi32, #tpu.memory_space<vmem>> -> memref<1x128xi32, #tpu.memory_space<vmem>>
      %dma_wait3A_537 = tpu.memref_squeeze %dma_wait3A_536 : memref<1x128xi32, #tpu.memory_space<vmem>> -> memref<128xi32, #tpu.memory_space<vmem>>
      %dma_wait3A_538 = arith.constant 0 : i32
      %dma_wait3A_539 = arith.constant 0 : i32
      %dma_wait3A_540 = tpu.memref_slice %arg3[%dma_wait3A_538, %dma_wait3A_539] : memref<1000000x64xf32, #tpu.memory_space<hbm>> -> memref<1000000x64xf32, #tpu.memory_space<hbm>>
      tpu.wait_indirect_dma semaphore(%arg10 : memref<!tpu.dma_semaphore, #tpu.memory_space<semaphore_mem>>) src(%dma_wait3A_540 : memref<1000000x64xf32, #tpu.memory_space<hbm>>) dst(%dma_wait3A_534 : memref<128x64xf32, #tpu.memory_space<vmem>>)
      %mul3A_541 = arith.constant 128 : i32
      %mul3A_542 = arith.muli %add3A_528, %mul3A_541 : i32
      %add3A_543 = arith.addi %mul3A_4, %mul3A_542 : i32
      %dma_start3A_544 = arith.constant 3 : i32
      %dma_start3A_545 = arith.constant 0 : i32
      %dma_start3A_546 = arith.constant 0 : i32
      %dma_start3A_547 = tpu.memref_slice %arg6[%dma_start3A_544, %dma_start3A_545, %dma_start3A_546] : memref<8x128x64xf32, #tpu.memory_space<vmem>> -> memref<1x128x64xf32, #tpu.memory_space<vmem>>
      %dma_start3A_548 = tpu.memref_squeeze %dma_start3A_547 : memref<1x128x64xf32, #tpu.memory_space<vmem>> -> memref<128x64xf32, #tpu.memory_space<vmem>>
      %dma_start3A_549 = arith.constant 0 : i32
      %dma_start3A_550 = tpu.memref_slice %arg4[%add3A_543, %dma_start3A_549] : memref<819200x64xf32, #tpu.memory_space<hbm>> -> memref<128x64xf32, #tpu.memory_space<hbm>>
      %dma_start3A_551 = arith.constant 0 : i32
      %dma_start3A_552 = tpu.memref_slice %arg4[%add3A_543, %dma_start3A_551] : memref<819200x64xf32, #tpu.memory_space<hbm>> -> memref<128x64xf32, #tpu.memory_space<hbm>>
      %dma_start3A_553 = arith.constant 0 : i32
      %dma_start3A_554 = arith.constant 0 : i32
      %dma_start3A_555 = tpu.memref_slice %arg6[%dma_start3A_544, %dma_start3A_553, %dma_start3A_554] : memref<8x128x64xf32, #tpu.memory_space<vmem>> -> memref<1x128x64xf32, #tpu.memory_space<vmem>>
      %dma_start3A_556 = tpu.memref_squeeze %dma_start3A_555 : memref<1x128x64xf32, #tpu.memory_space<vmem>> -> memref<128x64xf32, #tpu.memory_space<vmem>>
      tpu.enqueue_dma source(%dma_start3A_556 : memref<128x64xf32, #tpu.memory_space<vmem>>) target(%dma_start3A_552 : memref<128x64xf32, #tpu.memory_space<hbm>>) target_semaphore(%arg15 : memref<!tpu.dma_semaphore, #tpu.memory_space<semaphore_mem>>)
      %dma_wait3A_557 = arith.constant 0 : i32
      %dma_wait3A_558 = arith.constant 0 : i32
      %dma_wait3A_559 = arith.constant 0 : i32
      %dma_wait3A_560 = tpu.memref_slice %arg6[%dma_wait3A_557, %dma_wait3A_558, %dma_wait3A_559] : memref<8x128x64xf32, #tpu.memory_space<vmem>> -> memref<1x128x64xf32, #tpu.memory_space<vmem>>
      %dma_wait3A_561 = tpu.memref_squeeze %dma_wait3A_560 : memref<1x128x64xf32, #tpu.memory_space<vmem>> -> memref<128x64xf32, #tpu.memory_space<vmem>>
      %dma_wait3A_562 = arith.constant 0 : i32
      %dma_wait3A_563 = tpu.memref_slice %arg4[%mul3A_4, %dma_wait3A_562] : memref<819200x64xf32, #tpu.memory_space<hbm>> -> memref<128x64xf32, #tpu.memory_space<hbm>>
      %dma_wait3A_564 = arith.constant 0 : i32
      %dma_wait3A_565 = tpu.memref_slice %arg4[%mul3A_4, %dma_wait3A_564] : memref<819200x64xf32, #tpu.memory_space<hbm>> -> memref<128x64xf32, #tpu.memory_space<hbm>>
      %dma_wait3A_566 = arith.constant 0 : i32
      %dma_wait3A_567 = arith.constant 0 : i32
      %dma_wait3A_568 = tpu.memref_slice %arg6[%dma_wait3A_557, %dma_wait3A_566, %dma_wait3A_567] : memref<8x128x64xf32, #tpu.memory_space<vmem>> -> memref<1x128x64xf32, #tpu.memory_space<vmem>>
      %dma_wait3A_569 = tpu.memref_squeeze %dma_wait3A_568 : memref<1x128x64xf32, #tpu.memory_space<vmem>> -> memref<128x64xf32, #tpu.memory_space<vmem>>
      tpu.wait_dma2 semaphore(%arg15 : memref<!tpu.dma_semaphore, #tpu.memory_space<semaphore_mem>>) src(%dma_wait3A_569 : memref<128x64xf32, #tpu.memory_space<vmem>>) dst(%dma_wait3A_565 : memref<128x64xf32, #tpu.memory_space<hbm>>)
      %dma_wait3A_570 = arith.constant 1 : i32
      %dma_wait3A_571 = arith.constant 0 : i32
      %dma_wait3A_572 = arith.constant 0 : i32
      %dma_wait3A_573 = tpu.memref_slice %arg6[%dma_wait3A_570, %dma_wait3A_571, %dma_wait3A_572] : memref<8x128x64xf32, #tpu.memory_space<vmem>> -> memref<1x128x64xf32, #tpu.memory_space<vmem>>
      %dma_wait3A_574 = tpu.memref_squeeze %dma_wait3A_573 : memref<1x128x64xf32, #tpu.memory_space<vmem>> -> memref<128x64xf32, #tpu.memory_space<vmem>>
      %dma_wait3A_575 = arith.constant 0 : i32
      %dma_wait3A_576 = tpu.memref_slice %arg4[%mul3A_4, %dma_wait3A_575] : memref<819200x64xf32, #tpu.memory_space<hbm>> -> memref<128x64xf32, #tpu.memory_space<hbm>>
      %dma_wait3A_577 = arith.constant 0 : i32
      %dma_wait3A_578 = tpu.memref_slice %arg4[%mul3A_4, %dma_wait3A_577] : memref<819200x64xf32, #tpu.memory_space<hbm>> -> memref<128x64xf32, #tpu.memory_space<hbm>>
      %dma_wait3A_579 = arith.constant 0 : i32
      %dma_wait3A_580 = arith.constant 0 : i32
      %dma_wait3A_581 = tpu.memref_slice %arg6[%dma_wait3A_570, %dma_wait3A_579, %dma_wait3A_580] : memref<8x128x64xf32, #tpu.memory_space<vmem>> -> memref<1x128x64xf32, #tpu.memory_space<vmem>>
      %dma_wait3A_582 = tpu.memref_squeeze %dma_wait3A_581 : memref<1x128x64xf32, #tpu.memory_space<vmem>> -> memref<128x64xf32, #tpu.memory_space<vmem>>
      tpu.wait_dma2 semaphore(%arg15 : memref<!tpu.dma_semaphore, #tpu.memory_space<semaphore_mem>>) src(%dma_wait3A_582 : memref<128x64xf32, #tpu.memory_space<vmem>>) dst(%dma_wait3A_578 : memref<128x64xf32, #tpu.memory_space<hbm>>)
      %dma_wait3A_583 = arith.constant 2 : i32
      %dma_wait3A_584 = arith.constant 0 : i32
      %dma_wait3A_585 = arith.constant 0 : i32
      %dma_wait3A_586 = tpu.memref_slice %arg6[%dma_wait3A_583, %dma_wait3A_584, %dma_wait3A_585] : memref<8x128x64xf32, #tpu.memory_space<vmem>> -> memref<1x128x64xf32, #tpu.memory_space<vmem>>
      %dma_wait3A_587 = tpu.memref_squeeze %dma_wait3A_586 : memref<1x128x64xf32, #tpu.memory_space<vmem>> -> memref<128x64xf32, #tpu.memory_space<vmem>>
      %dma_wait3A_588 = arith.constant 0 : i32
      %dma_wait3A_589 = tpu.memref_slice %arg4[%mul3A_4, %dma_wait3A_588] : memref<819200x64xf32, #tpu.memory_space<hbm>> -> memref<128x64xf32, #tpu.memory_space<hbm>>
      %dma_wait3A_590 = arith.constant 0 : i32
      %dma_wait3A_591 = tpu.memref_slice %arg4[%mul3A_4, %dma_wait3A_590] : memref<819200x64xf32, #tpu.memory_space<hbm>> -> memref<128x64xf32, #tpu.memory_space<hbm>>
      %dma_wait3A_592 = arith.constant 0 : i32
      %dma_wait3A_593 = arith.constant 0 : i32
      %dma_wait3A_594 = tpu.memref_slice %arg6[%dma_wait3A_583, %dma_wait3A_592, %dma_wait3A_593] : memref<8x128x64xf32, #tpu.memory_space<vmem>> -> memref<1x128x64xf32, #tpu.memory_space<vmem>>
      %dma_wait3A_595 = tpu.memref_squeeze %dma_wait3A_594 : memref<1x128x64xf32, #tpu.memory_space<vmem>> -> memref<128x64xf32, #tpu.memory_space<vmem>>
      tpu.wait_dma2 semaphore(%arg15 : memref<!tpu.dma_semaphore, #tpu.memory_space<semaphore_mem>>) src(%dma_wait3A_595 : memref<128x64xf32, #tpu.memory_space<vmem>>) dst(%dma_wait3A_591 : memref<128x64xf32, #tpu.memory_space<hbm>>)
      %dma_wait3A_596 = arith.constant 3 : i32
      %dma_wait3A_597 = arith.constant 0 : i32
      %dma_wait3A_598 = arith.constant 0 : i32
      %dma_wait3A_599 = tpu.memref_slice %arg6[%dma_wait3A_596, %dma_wait3A_597, %dma_wait3A_598] : memref<8x128x64xf32, #tpu.memory_space<vmem>> -> memref<1x128x64xf32, #tpu.memory_space<vmem>>
      %dma_wait3A_600 = tpu.memref_squeeze %dma_wait3A_599 : memref<1x128x64xf32, #tpu.memory_space<vmem>> -> memref<128x64xf32, #tpu.memory_space<vmem>>
      %dma_wait3A_601 = arith.constant 0 : i32
      %dma_wait3A_602 = tpu.memref_slice %arg4[%mul3A_4, %dma_wait3A_601] : memref<819200x64xf32, #tpu.memory_space<hbm>> -> memref<128x64xf32, #tpu.memory_space<hbm>>
      %dma_wait3A_603 = arith.constant 0 : i32
      %dma_wait3A_604 = tpu.memref_slice %arg4[%mul3A_4, %dma_wait3A_603] : memref<819200x64xf32, #tpu.memory_space<hbm>> -> memref<128x64xf32, #tpu.memory_space<hbm>>
      %dma_wait3A_605 = arith.constant 0 : i32
      %dma_wait3A_606 = arith.constant 0 : i32
      %dma_wait3A_607 = tpu.memref_slice %arg6[%dma_wait3A_596, %dma_wait3A_605, %dma_wait3A_606] : memref<8x128x64xf32, #tpu.memory_space<vmem>> -> memref<1x128x64xf32, #tpu.memory_space<vmem>>
      %dma_wait3A_608 = tpu.memref_squeeze %dma_wait3A_607 : memref<1x128x64xf32, #tpu.memory_space<vmem>> -> memref<128x64xf32, #tpu.memory_space<vmem>>
      tpu.wait_dma2 semaphore(%arg15 : memref<!tpu.dma_semaphore, #tpu.memory_space<semaphore_mem>>) src(%dma_wait3A_608 : memref<128x64xf32, #tpu.memory_space<vmem>>) dst(%dma_wait3A_604 : memref<128x64xf32, #tpu.memory_space<hbm>>)
      %add3A_609 = arith.constant 2 : i32
      %add3A_610 = arith.addi %mul3A_428, %add3A_609 : i32
      %mul3A_611 = arith.constant 4 : i32
      %mul3A_612 = arith.muli %add3A_610, %mul3A_611 : i32
      %add3A_613 = arith.constant 0 : i32
      %add3A_614 = arith.addi %mul3A_612, %add3A_613 : i32
      %dma_start3A_615 = arith.constant 0 : i32
      %dma_start3A_616 = arith.constant 0 : i32
      %dma_start3A_617 = arith.constant 0 : i32
      %dma_start3A_618 = tpu.memref_slice %arg6[%dma_start3A_615, %dma_start3A_616, %dma_start3A_617] : memref<8x128x64xf32, #tpu.memory_space<vmem>> -> memref<1x128x64xf32, #tpu.memory_space<vmem>>
      %dma_start3A_619 = tpu.memref_squeeze %dma_start3A_618 : memref<1x128x64xf32, #tpu.memory_space<vmem>> -> memref<128x64xf32, #tpu.memory_space<vmem>>
      %dma_start3A_620 = arith.constant 0 : i32
      %dma_start3A_621 = tpu.memref_slice %arg5[%add3A_614, %dma_start3A_620] : memref<200x128xi32, #tpu.memory_space<vmem>> -> memref<1x128xi32, #tpu.memory_space<vmem>>
      %dma_start3A_622 = tpu.memref_squeeze %dma_start3A_621 : memref<1x128xi32, #tpu.memory_space<vmem>> -> memref<128xi32, #tpu.memory_space<vmem>>
      %dma_start3A_623 = arith.constant 0 : i32
      %dma_start3A_624 = arith.constant 0 : i32
      %dma_start3A_625 = tpu.memref_slice %arg3[%dma_start3A_623, %dma_start3A_624] : memref<1000000x64xf32, #tpu.memory_space<hbm>> -> memref<1000000x64xf32, #tpu.memory_space<hbm>>
      tpu.enqueue_indirect_dma source(%dma_start3A_625 : memref<1000000x64xf32, #tpu.memory_space<hbm>>) target(%dma_start3A_619 : memref<128x64xf32, #tpu.memory_space<vmem>>) offsets(%dma_start3A_622 : memref<128xi32, #tpu.memory_space<vmem>>) semaphore(%arg7 : memref<!tpu.dma_semaphore, #tpu.memory_space<semaphore_mem>>)
      %mul3A_626 = arith.constant 4 : i32
      %mul3A_627 = arith.muli %add3A_610, %mul3A_626 : i32
      %add3A_628 = arith.constant 1 : i32
      %add3A_629 = arith.addi %mul3A_627, %add3A_628 : i32
      %dma_start3A_630 = arith.constant 1 : i32
      %dma_start3A_631 = arith.constant 0 : i32
      %dma_start3A_632 = arith.constant 0 : i32
      %dma_start3A_633 = tpu.memref_slice %arg6[%dma_start3A_630, %dma_start3A_631, %dma_start3A_632] : memref<8x128x64xf32, #tpu.memory_space<vmem>> -> memref<1x128x64xf32, #tpu.memory_space<vmem>>
      %dma_start3A_634 = tpu.memref_squeeze %dma_start3A_633 : memref<1x128x64xf32, #tpu.memory_space<vmem>> -> memref<128x64xf32, #tpu.memory_space<vmem>>
      %dma_start3A_635 = arith.constant 0 : i32
      %dma_start3A_636 = tpu.memref_slice %arg5[%add3A_629, %dma_start3A_635] : memref<200x128xi32, #tpu.memory_space<vmem>> -> memref<1x128xi32, #tpu.memory_space<vmem>>
      %dma_start3A_637 = tpu.memref_squeeze %dma_start3A_636 : memref<1x128xi32, #tpu.memory_space<vmem>> -> memref<128xi32, #tpu.memory_space<vmem>>
      %dma_start3A_638 = arith.constant 0 : i32
      %dma_start3A_639 = arith.constant 0 : i32
      %dma_start3A_640 = tpu.memref_slice %arg3[%dma_start3A_638, %dma_start3A_639] : memref<1000000x64xf32, #tpu.memory_space<hbm>> -> memref<1000000x64xf32, #tpu.memory_space<hbm>>
      tpu.enqueue_indirect_dma source(%dma_start3A_640 : memref<1000000x64xf32, #tpu.memory_space<hbm>>) target(%dma_start3A_634 : memref<128x64xf32, #tpu.memory_space<vmem>>) offsets(%dma_start3A_637 : memref<128xi32, #tpu.memory_space<vmem>>) semaphore(%arg8 : memref<!tpu.dma_semaphore, #tpu.memory_space<semaphore_mem>>)
      %mul3A_641 = arith.constant 4 : i32
      %mul3A_642 = arith.muli %add3A_610, %mul3A_641 : i32
      %add3A_643 = arith.constant 2 : i32
      %add3A_644 = arith.addi %mul3A_642, %add3A_643 : i32
      %dma_start3A_645 = arith.constant 2 : i32
      %dma_start3A_646 = arith.constant 0 : i32
      %dma_start3A_647 = arith.constant 0 : i32
      %dma_start3A_648 = tpu.memref_slice %arg6[%dma_start3A_645, %dma_start3A_646, %dma_start3A_647] : memref<8x128x64xf32, #tpu.memory_space<vmem>> -> memref<1x128x64xf32, #tpu.memory_space<vmem>>
      %dma_start3A_649 = tpu.memref_squeeze %dma_start3A_648 : memref<1x128x64xf32, #tpu.memory_space<vmem>> -> memref<128x64xf32, #tpu.memory_space<vmem>>
      %dma_start3A_650 = arith.constant 0 : i32
      %dma_start3A_651 = tpu.memref_slice %arg5[%add3A_644, %dma_start3A_650] : memref<200x128xi32, #tpu.memory_space<vmem>> -> memref<1x128xi32, #tpu.memory_space<vmem>>
      %dma_start3A_652 = tpu.memref_squeeze %dma_start3A_651 : memref<1x128xi32, #tpu.memory_space<vmem>> -> memref<128xi32, #tpu.memory_space<vmem>>
      %dma_start3A_653 = arith.constant 0 : i32
      %dma_start3A_654 = arith.constant 0 : i32
      %dma_start3A_655 = tpu.memref_slice %arg3[%dma_start3A_653, %dma_start3A_654] : memref<1000000x64xf32, #tpu.memory_space<hbm>> -> memref<1000000x64xf32, #tpu.memory_space<hbm>>
      tpu.enqueue_indirect_dma source(%dma_start3A_655 : memref<1000000x64xf32, #tpu.memory_space<hbm>>) target(%dma_start3A_649 : memref<128x64xf32, #tpu.memory_space<vmem>>) offsets(%dma_start3A_652 : memref<128xi32, #tpu.memory_space<vmem>>) semaphore(%arg9 : memref<!tpu.dma_semaphore, #tpu.memory_space<semaphore_mem>>)
      %mul3A_656 = arith.constant 4 : i32
      %mul3A_657 = arith.muli %add3A_610, %mul3A_656 : i32
      %add3A_658 = arith.constant 3 : i32
      %add3A_659 = arith.addi %mul3A_657, %add3A_658 : i32
      %dma_start3A_660 = arith.constant 3 : i32
      %dma_start3A_661 = arith.constant 0 : i32
      %dma_start3A_662 = arith.constant 0 : i32
      %dma_start3A_663 = tpu.memref_slice %arg6[%dma_start3A_660, %dma_start3A_661, %dma_start3A_662] : memref<8x128x64xf32, #tpu.memory_space<vmem>> -> memref<1x128x64xf32, #tpu.memory_space<vmem>>
      %dma_start3A_664 = tpu.memref_squeeze %dma_start3A_663 : memref<1x128x64xf32, #tpu.memory_space<vmem>> -> memref<128x64xf32, #tpu.memory_space<vmem>>
      %dma_start3A_665 = arith.constant 0 : i32
      %dma_start3A_666 = tpu.memref_slice %arg5[%add3A_659, %dma_start3A_665] : memref<200x128xi32, #tpu.memory_space<vmem>> -> memref<1x128xi32, #tpu.memory_space<vmem>>
      %dma_start3A_667 = tpu.memref_squeeze %dma_start3A_666 : memref<1x128xi32, #tpu.memory_space<vmem>> -> memref<128xi32, #tpu.memory_space<vmem>>
      %dma_start3A_668 = arith.constant 0 : i32
      %dma_start3A_669 = arith.constant 0 : i32
      %dma_start3A_670 = tpu.memref_slice %arg3[%dma_start3A_668, %dma_start3A_669] : memref<1000000x64xf32, #tpu.memory_space<hbm>> -> memref<1000000x64xf32, #tpu.memory_space<hbm>>
      tpu.enqueue_indirect_dma source(%dma_start3A_670 : memref<1000000x64xf32, #tpu.memory_space<hbm>>) target(%dma_start3A_664 : memref<128x64xf32, #tpu.memory_space<vmem>>) offsets(%dma_start3A_667 : memref<128xi32, #tpu.memory_space<vmem>>) semaphore(%arg10 : memref<!tpu.dma_semaphore, #tpu.memory_space<semaphore_mem>>)
      %add3A_671 = arith.constant 1 : i32
      %add3A_672 = arith.addi %mul3A_428, %add3A_671 : i32
      %mul3A_673 = arith.constant 4 : i32
      %mul3A_674 = arith.muli %add3A_672, %mul3A_673 : i32
      %add3A_675 = arith.constant 0 : i32
      %add3A_676 = arith.addi %mul3A_674, %add3A_675 : i32
      %dma_wait3A_677 = arith.constant 0 : i32
      %dma_wait3A_678 = arith.constant 4 : i32
      %dma_wait3A_679 = arith.constant 0 : i32
      %dma_wait3A_680 = arith.constant 0 : i32
      %dma_wait3A_681 = tpu.memref_slice %arg6[%dma_wait3A_678, %dma_wait3A_679, %dma_wait3A_680] : memref<8x128x64xf32, #tpu.memory_space<vmem>> -> memref<1x128x64xf32, #tpu.memory_space<vmem>>
      %dma_wait3A_682 = tpu.memref_squeeze %dma_wait3A_681 : memref<1x128x64xf32, #tpu.memory_space<vmem>> -> memref<128x64xf32, #tpu.memory_space<vmem>>
      %dma_wait3A_683 = arith.constant 0 : i32
      %dma_wait3A_684 = tpu.memref_slice %arg5[%dma_wait3A_677, %dma_wait3A_683] : memref<200x128xi32, #tpu.memory_space<vmem>> -> memref<1x128xi32, #tpu.memory_space<vmem>>
      %dma_wait3A_685 = tpu.memref_squeeze %dma_wait3A_684 : memref<1x128xi32, #tpu.memory_space<vmem>> -> memref<128xi32, #tpu.memory_space<vmem>>
      %dma_wait3A_686 = arith.constant 0 : i32
      %dma_wait3A_687 = arith.constant 0 : i32
      %dma_wait3A_688 = tpu.memref_slice %arg3[%dma_wait3A_686, %dma_wait3A_687] : memref<1000000x64xf32, #tpu.memory_space<hbm>> -> memref<1000000x64xf32, #tpu.memory_space<hbm>>
      tpu.wait_indirect_dma semaphore(%arg11 : memref<!tpu.dma_semaphore, #tpu.memory_space<semaphore_mem>>) src(%dma_wait3A_688 : memref<1000000x64xf32, #tpu.memory_space<hbm>>) dst(%dma_wait3A_682 : memref<128x64xf32, #tpu.memory_space<vmem>>)
      %mul3A_689 = arith.constant 128 : i32
      %mul3A_690 = arith.muli %add3A_676, %mul3A_689 : i32
      %add3A_691 = arith.addi %mul3A_4, %mul3A_690 : i32
      %dma_start3A_692 = arith.constant 4 : i32
      %dma_start3A_693 = arith.constant 0 : i32
      %dma_start3A_694 = arith.constant 0 : i32
      %dma_start3A_695 = tpu.memref_slice %arg6[%dma_start3A_692, %dma_start3A_693, %dma_start3A_694] : memref<8x128x64xf32, #tpu.memory_space<vmem>> -> memref<1x128x64xf32, #tpu.memory_space<vmem>>
      %dma_start3A_696 = tpu.memref_squeeze %dma_start3A_695 : memref<1x128x64xf32, #tpu.memory_space<vmem>> -> memref<128x64xf32, #tpu.memory_space<vmem>>
      %dma_start3A_697 = arith.constant 0 : i32
      %dma_start3A_698 = tpu.memref_slice %arg4[%add3A_691, %dma_start3A_697] : memref<819200x64xf32, #tpu.memory_space<hbm>> -> memref<128x64xf32, #tpu.memory_space<hbm>>
      %dma_start3A_699 = arith.constant 0 : i32
      %dma_start3A_700 = tpu.memref_slice %arg4[%add3A_691, %dma_start3A_699] : memref<819200x64xf32, #tpu.memory_space<hbm>> -> memref<128x64xf32, #tpu.memory_space<hbm>>
      %dma_start3A_701 = arith.constant 0 : i32
      %dma_start3A_702 = arith.constant 0 : i32
      %dma_start3A_703 = tpu.memref_slice %arg6[%dma_start3A_692, %dma_start3A_701, %dma_start3A_702] : memref<8x128x64xf32, #tpu.memory_space<vmem>> -> memref<1x128x64xf32, #tpu.memory_space<vmem>>
      %dma_start3A_704 = tpu.memref_squeeze %dma_start3A_703 : memref<1x128x64xf32, #tpu.memory_space<vmem>> -> memref<128x64xf32, #tpu.memory_space<vmem>>
      tpu.enqueue_dma source(%dma_start3A_704 : memref<128x64xf32, #tpu.memory_space<vmem>>) target(%dma_start3A_700 : memref<128x64xf32, #tpu.memory_space<hbm>>) target_semaphore(%arg16 : memref<!tpu.dma_semaphore, #tpu.memory_space<semaphore_mem>>)
      %mul3A_705 = arith.constant 4 : i32
      %mul3A_706 = arith.muli %add3A_672, %mul3A_705 : i32
      %add3A_707 = arith.constant 1 : i32
      %add3A_708 = arith.addi %mul3A_706, %add3A_707 : i32
      %dma_wait3A_709 = arith.constant 0 : i32
      %dma_wait3A_710 = arith.constant 5 : i32
      %dma_wait3A_711 = arith.constant 0 : i32
      %dma_wait3A_712 = arith.constant 0 : i32
      %dma_wait3A_713 = tpu.memref_slice %arg6[%dma_wait3A_710, %dma_wait3A_711, %dma_wait3A_712] : memref<8x128x64xf32, #tpu.memory_space<vmem>> -> memref<1x128x64xf32, #tpu.memory_space<vmem>>
      %dma_wait3A_714 = tpu.memref_squeeze %dma_wait3A_713 : memref<1x128x64xf32, #tpu.memory_space<vmem>> -> memref<128x64xf32, #tpu.memory_space<vmem>>
      %dma_wait3A_715 = arith.constant 0 : i32
      %dma_wait3A_716 = tpu.memref_slice %arg5[%dma_wait3A_709, %dma_wait3A_715] : memref<200x128xi32, #tpu.memory_space<vmem>> -> memref<1x128xi32, #tpu.memory_space<vmem>>
      %dma_wait3A_717 = tpu.memref_squeeze %dma_wait3A_716 : memref<1x128xi32, #tpu.memory_space<vmem>> -> memref<128xi32, #tpu.memory_space<vmem>>
      %dma_wait3A_718 = arith.constant 0 : i32
      %dma_wait3A_719 = arith.constant 0 : i32
      %dma_wait3A_720 = tpu.memref_slice %arg3[%dma_wait3A_718, %dma_wait3A_719] : memref<1000000x64xf32, #tpu.memory_space<hbm>> -> memref<1000000x64xf32, #tpu.memory_space<hbm>>
      tpu.wait_indirect_dma semaphore(%arg12 : memref<!tpu.dma_semaphore, #tpu.memory_space<semaphore_mem>>) src(%dma_wait3A_720 : memref<1000000x64xf32, #tpu.memory_space<hbm>>) dst(%dma_wait3A_714 : memref<128x64xf32, #tpu.memory_space<vmem>>)
      %mul3A_721 = arith.constant 128 : i32
      %mul3A_722 = arith.muli %add3A_708, %mul3A_721 : i32
      %add3A_723 = arith.addi %mul3A_4, %mul3A_722 : i32
      %dma_start3A_724 = arith.constant 5 : i32
      %dma_start3A_725 = arith.constant 0 : i32
      %dma_start3A_726 = arith.constant 0 : i32
      %dma_start3A_727 = tpu.memref_slice %arg6[%dma_start3A_724, %dma_start3A_725, %dma_start3A_726] : memref<8x128x64xf32, #tpu.memory_space<vmem>> -> memref<1x128x64xf32, #tpu.memory_space<vmem>>
      %dma_start3A_728 = tpu.memref_squeeze %dma_start3A_727 : memref<1x128x64xf32, #tpu.memory_space<vmem>> -> memref<128x64xf32, #tpu.memory_space<vmem>>
      %dma_start3A_729 = arith.constant 0 : i32
      %dma_start3A_730 = tpu.memref_slice %arg4[%add3A_723, %dma_start3A_729] : memref<819200x64xf32, #tpu.memory_space<hbm>> -> memref<128x64xf32, #tpu.memory_space<hbm>>
      %dma_start3A_731 = arith.constant 0 : i32
      %dma_start3A_732 = tpu.memref_slice %arg4[%add3A_723, %dma_start3A_731] : memref<819200x64xf32, #tpu.memory_space<hbm>> -> memref<128x64xf32, #tpu.memory_space<hbm>>
      %dma_start3A_733 = arith.constant 0 : i32
      %dma_start3A_734 = arith.constant 0 : i32
      %dma_start3A_735 = tpu.memref_slice %arg6[%dma_start3A_724, %dma_start3A_733, %dma_start3A_734] : memref<8x128x64xf32, #tpu.memory_space<vmem>> -> memref<1x128x64xf32, #tpu.memory_space<vmem>>
      %dma_start3A_736 = tpu.memref_squeeze %dma_start3A_735 : memref<1x128x64xf32, #tpu.memory_space<vmem>> -> memref<128x64xf32, #tpu.memory_space<vmem>>
      tpu.enqueue_dma source(%dma_start3A_736 : memref<128x64xf32, #tpu.memory_space<vmem>>) target(%dma_start3A_732 : memref<128x64xf32, #tpu.memory_space<hbm>>) target_semaphore(%arg16 : memref<!tpu.dma_semaphore, #tpu.memory_space<semaphore_mem>>)
      %mul3A_737 = arith.constant 4 : i32
      %mul3A_738 = arith.muli %add3A_672, %mul3A_737 : i32
      %add3A_739 = arith.constant 2 : i32
      %add3A_740 = arith.addi %mul3A_738, %add3A_739 : i32
      %dma_wait3A_741 = arith.constant 0 : i32
      %dma_wait3A_742 = arith.constant 6 : i32
      %dma_wait3A_743 = arith.constant 0 : i32
      %dma_wait3A_744 = arith.constant 0 : i32
      %dma_wait3A_745 = tpu.memref_slice %arg6[%dma_wait3A_742, %dma_wait3A_743, %dma_wait3A_744] : memref<8x128x64xf32, #tpu.memory_space<vmem>> -> memref<1x128x64xf32, #tpu.memory_space<vmem>>
      %dma_wait3A_746 = tpu.memref_squeeze %dma_wait3A_745 : memref<1x128x64xf32, #tpu.memory_space<vmem>> -> memref<128x64xf32, #tpu.memory_space<vmem>>
      %dma_wait3A_747 = arith.constant 0 : i32
      %dma_wait3A_748 = tpu.memref_slice %arg5[%dma_wait3A_741, %dma_wait3A_747] : memref<200x128xi32, #tpu.memory_space<vmem>> -> memref<1x128xi32, #tpu.memory_space<vmem>>
      %dma_wait3A_749 = tpu.memref_squeeze %dma_wait3A_748 : memref<1x128xi32, #tpu.memory_space<vmem>> -> memref<128xi32, #tpu.memory_space<vmem>>
      %dma_wait3A_750 = arith.constant 0 : i32
      %dma_wait3A_751 = arith.constant 0 : i32
      %dma_wait3A_752 = tpu.memref_slice %arg3[%dma_wait3A_750, %dma_wait3A_751] : memref<1000000x64xf32, #tpu.memory_space<hbm>> -> memref<1000000x64xf32, #tpu.memory_space<hbm>>
      tpu.wait_indirect_dma semaphore(%arg13 : memref<!tpu.dma_semaphore, #tpu.memory_space<semaphore_mem>>) src(%dma_wait3A_752 : memref<1000000x64xf32, #tpu.memory_space<hbm>>) dst(%dma_wait3A_746 : memref<128x64xf32, #tpu.memory_space<vmem>>)
      %mul3A_753 = arith.constant 128 : i32
      %mul3A_754 = arith.muli %add3A_740, %mul3A_753 : i32
      %add3A_755 = arith.addi %mul3A_4, %mul3A_754 : i32
      %dma_start3A_756 = arith.constant 6 : i32
      %dma_start3A_757 = arith.constant 0 : i32
      %dma_start3A_758 = arith.constant 0 : i32
      %dma_start3A_759 = tpu.memref_slice %arg6[%dma_start3A_756, %dma_start3A_757, %dma_start3A_758] : memref<8x128x64xf32, #tpu.memory_space<vmem>> -> memref<1x128x64xf32, #tpu.memory_space<vmem>>
      %dma_start3A_760 = tpu.memref_squeeze %dma_start3A_759 : memref<1x128x64xf32, #tpu.memory_space<vmem>> -> memref<128x64xf32, #tpu.memory_space<vmem>>
      %dma_start3A_761 = arith.constant 0 : i32
      %dma_start3A_762 = tpu.memref_slice %arg4[%add3A_755, %dma_start3A_761] : memref<819200x64xf32, #tpu.memory_space<hbm>> -> memref<128x64xf32, #tpu.memory_space<hbm>>
      %dma_start3A_763 = arith.constant 0 : i32
      %dma_start3A_764 = tpu.memref_slice %arg4[%add3A_755, %dma_start3A_763] : memref<819200x64xf32, #tpu.memory_space<hbm>> -> memref<128x64xf32, #tpu.memory_space<hbm>>
      %dma_start3A_765 = arith.constant 0 : i32
      %dma_start3A_766 = arith.constant 0 : i32
      %dma_start3A_767 = tpu.memref_slice %arg6[%dma_start3A_756, %dma_start3A_765, %dma_start3A_766] : memref<8x128x64xf32, #tpu.memory_space<vmem>> -> memref<1x128x64xf32, #tpu.memory_space<vmem>>
      %dma_start3A_768 = tpu.memref_squeeze %dma_start3A_767 : memref<1x128x64xf32, #tpu.memory_space<vmem>> -> memref<128x64xf32, #tpu.memory_space<vmem>>
      tpu.enqueue_dma source(%dma_start3A_768 : memref<128x64xf32, #tpu.memory_space<vmem>>) target(%dma_start3A_764 : memref<128x64xf32, #tpu.memory_space<hbm>>) target_semaphore(%arg16 : memref<!tpu.dma_semaphore, #tpu.memory_space<semaphore_mem>>)
      %mul3A_769 = arith.constant 4 : i32
      %mul3A_770 = arith.muli %add3A_672, %mul3A_769 : i32
      %add3A_771 = arith.constant 3 : i32
      %add3A_772 = arith.addi %mul3A_770, %add3A_771 : i32
      %dma_wait3A_773 = arith.constant 0 : i32
      %dma_wait3A_774 = arith.constant 7 : i32
      %dma_wait3A_775 = arith.constant 0 : i32
      %dma_wait3A_776 = arith.constant 0 : i32
      %dma_wait3A_777 = tpu.memref_slice %arg6[%dma_wait3A_774, %dma_wait3A_775, %dma_wait3A_776] : memref<8x128x64xf32, #tpu.memory_space<vmem>> -> memref<1x128x64xf32, #tpu.memory_space<vmem>>
      %dma_wait3A_778 = tpu.memref_squeeze %dma_wait3A_777 : memref<1x128x64xf32, #tpu.memory_space<vmem>> -> memref<128x64xf32, #tpu.memory_space<vmem>>
      %dma_wait3A_779 = arith.constant 0 : i32
      %dma_wait3A_780 = tpu.memref_slice %arg5[%dma_wait3A_773, %dma_wait3A_779] : memref<200x128xi32, #tpu.memory_space<vmem>> -> memref<1x128xi32, #tpu.memory_space<vmem>>
      %dma_wait3A_781 = tpu.memref_squeeze %dma_wait3A_780 : memref<1x128xi32, #tpu.memory_space<vmem>> -> memref<128xi32, #tpu.memory_space<vmem>>
      %dma_wait3A_782 = arith.constant 0 : i32
      %dma_wait3A_783 = arith.constant 0 : i32
      %dma_wait3A_784 = tpu.memref_slice %arg3[%dma_wait3A_782, %dma_wait3A_783] : memref<1000000x64xf32, #tpu.memory_space<hbm>> -> memref<1000000x64xf32, #tpu.memory_space<hbm>>
      tpu.wait_indirect_dma semaphore(%arg14 : memref<!tpu.dma_semaphore, #tpu.memory_space<semaphore_mem>>) src(%dma_wait3A_784 : memref<1000000x64xf32, #tpu.memory_space<hbm>>) dst(%dma_wait3A_778 : memref<128x64xf32, #tpu.memory_space<vmem>>)
      %mul3A_785 = arith.constant 128 : i32
      %mul3A_786 = arith.muli %add3A_772, %mul3A_785 : i32
      %add3A_787 = arith.addi %mul3A_4, %mul3A_786 : i32
      %dma_start3A_788 = arith.constant 7 : i32
      %dma_start3A_789 = arith.constant 0 : i32
      %dma_start3A_790 = arith.constant 0 : i32
      %dma_start3A_791 = tpu.memref_slice %arg6[%dma_start3A_788, %dma_start3A_789, %dma_start3A_790] : memref<8x128x64xf32, #tpu.memory_space<vmem>> -> memref<1x128x64xf32, #tpu.memory_space<vmem>>
      %dma_start3A_792 = tpu.memref_squeeze %dma_start3A_791 : memref<1x128x64xf32, #tpu.memory_space<vmem>> -> memref<128x64xf32, #tpu.memory_space<vmem>>
      %dma_start3A_793 = arith.constant 0 : i32
      %dma_start3A_794 = tpu.memref_slice %arg4[%add3A_787, %dma_start3A_793] : memref<819200x64xf32, #tpu.memory_space<hbm>> -> memref<128x64xf32, #tpu.memory_space<hbm>>
      %dma_start3A_795 = arith.constant 0 : i32
      %dma_start3A_796 = tpu.memref_slice %arg4[%add3A_787, %dma_start3A_795] : memref<819200x64xf32, #tpu.memory_space<hbm>> -> memref<128x64xf32, #tpu.memory_space<hbm>>
      %dma_start3A_797 = arith.constant 0 : i32
      %dma_start3A_798 = arith.constant 0 : i32
      %dma_start3A_799 = tpu.memref_slice %arg6[%dma_start3A_788, %dma_start3A_797, %dma_start3A_798] : memref<8x128x64xf32, #tpu.memory_space<vmem>> -> memref<1x128x64xf32, #tpu.memory_space<vmem>>
      %dma_start3A_800 = tpu.memref_squeeze %dma_start3A_799 : memref<1x128x64xf32, #tpu.memory_space<vmem>> -> memref<128x64xf32, #tpu.memory_space<vmem>>
      tpu.enqueue_dma source(%dma_start3A_800 : memref<128x64xf32, #tpu.memory_space<vmem>>) target(%dma_start3A_796 : memref<128x64xf32, #tpu.memory_space<hbm>>) target_semaphore(%arg16 : memref<!tpu.dma_semaphore, #tpu.memory_space<semaphore_mem>>)
      %dma_wait3A_801 = arith.constant 4 : i32
      %dma_wait3A_802 = arith.constant 0 : i32
      %dma_wait3A_803 = arith.constant 0 : i32
      %dma_wait3A_804 = tpu.memref_slice %arg6[%dma_wait3A_801, %dma_wait3A_802, %dma_wait3A_803] : memref<8x128x64xf32, #tpu.memory_space<vmem>> -> memref<1x128x64xf32, #tpu.memory_space<vmem>>
      %dma_wait3A_805 = tpu.memref_squeeze %dma_wait3A_804 : memref<1x128x64xf32, #tpu.memory_space<vmem>> -> memref<128x64xf32, #tpu.memory_space<vmem>>
      %dma_wait3A_806 = arith.constant 0 : i32
      %dma_wait3A_807 = tpu.memref_slice %arg4[%mul3A_4, %dma_wait3A_806] : memref<819200x64xf32, #tpu.memory_space<hbm>> -> memref<128x64xf32, #tpu.memory_space<hbm>>
      %dma_wait3A_808 = arith.constant 0 : i32
      %dma_wait3A_809 = tpu.memref_slice %arg4[%mul3A_4, %dma_wait3A_808] : memref<819200x64xf32, #tpu.memory_space<hbm>> -> memref<128x64xf32, #tpu.memory_space<hbm>>
      %dma_wait3A_810 = arith.constant 0 : i32
      %dma_wait3A_811 = arith.constant 0 : i32
      %dma_wait3A_812 = tpu.memref_slice %arg6[%dma_wait3A_801, %dma_wait3A_810, %dma_wait3A_811] : memref<8x128x64xf32, #tpu.memory_space<vmem>> -> memref<1x128x64xf32, #tpu.memory_space<vmem>>
      %dma_wait3A_813 = tpu.memref_squeeze %dma_wait3A_812 : memref<1x128x64xf32, #tpu.memory_space<vmem>> -> memref<128x64xf32, #tpu.memory_space<vmem>>
      tpu.wait_dma2 semaphore(%arg16 : memref<!tpu.dma_semaphore, #tpu.memory_space<semaphore_mem>>) src(%dma_wait3A_813 : memref<128x64xf32, #tpu.memory_space<vmem>>) dst(%dma_wait3A_809 : memref<128x64xf32, #tpu.memory_space<hbm>>)
      %dma_wait3A_814 = arith.constant 5 : i32
      %dma_wait3A_815 = arith.constant 0 : i32
      %dma_wait3A_816 = arith.constant 0 : i32
      %dma_wait3A_817 = tpu.memref_slice %arg6[%dma_wait3A_814, %dma_wait3A_815, %dma_wait3A_816] : memref<8x128x64xf32, #tpu.memory_space<vmem>> -> memref<1x128x64xf32, #tpu.memory_space<vmem>>
      %dma_wait3A_818 = tpu.memref_squeeze %dma_wait3A_817 : memref<1x128x64xf32, #tpu.memory_space<vmem>> -> memref<128x64xf32, #tpu.memory_space<vmem>>
      %dma_wait3A_819 = arith.constant 0 : i32
      %dma_wait3A_820 = tpu.memref_slice %arg4[%mul3A_4, %dma_wait3A_819] : memref<819200x64xf32, #tpu.memory_space<hbm>> -> memref<128x64xf32, #tpu.memory_space<hbm>>
      %dma_wait3A_821 = arith.constant 0 : i32
      %dma_wait3A_822 = tpu.memref_slice %arg4[%mul3A_4, %dma_wait3A_821] : memref<819200x64xf32, #tpu.memory_space<hbm>> -> memref<128x64xf32, #tpu.memory_space<hbm>>
      %dma_wait3A_823 = arith.constant 0 : i32
      %dma_wait3A_824 = arith.constant 0 : i32
      %dma_wait3A_825 = tpu.memref_slice %arg6[%dma_wait3A_814, %dma_wait3A_823, %dma_wait3A_824] : memref<8x128x64xf32, #tpu.memory_space<vmem>> -> memref<1x128x64xf32, #tpu.memory_space<vmem>>
      %dma_wait3A_826 = tpu.memref_squeeze %dma_wait3A_825 : memref<1x128x64xf32, #tpu.memory_space<vmem>> -> memref<128x64xf32, #tpu.memory_space<vmem>>
      tpu.wait_dma2 semaphore(%arg16 : memref<!tpu.dma_semaphore, #tpu.memory_space<semaphore_mem>>) src(%dma_wait3A_826 : memref<128x64xf32, #tpu.memory_space<vmem>>) dst(%dma_wait3A_822 : memref<128x64xf32, #tpu.memory_space<hbm>>)
      %dma_wait3A_827 = arith.constant 6 : i32
      %dma_wait3A_828 = arith.constant 0 : i32
      %dma_wait3A_829 = arith.constant 0 : i32
      %dma_wait3A_830 = tpu.memref_slice %arg6[%dma_wait3A_827, %dma_wait3A_828, %dma_wait3A_829] : memref<8x128x64xf32, #tpu.memory_space<vmem>> -> memref<1x128x64xf32, #tpu.memory_space<vmem>>
      %dma_wait3A_831 = tpu.memref_squeeze %dma_wait3A_830 : memref<1x128x64xf32, #tpu.memory_space<vmem>> -> memref<128x64xf32, #tpu.memory_space<vmem>>
      %dma_wait3A_832 = arith.constant 0 : i32
      %dma_wait3A_833 = tpu.memref_slice %arg4[%mul3A_4, %dma_wait3A_832] : memref<819200x64xf32, #tpu.memory_space<hbm>> -> memref<128x64xf32, #tpu.memory_space<hbm>>
      %dma_wait3A_834 = arith.constant 0 : i32
      %dma_wait3A_835 = tpu.memref_slice %arg4[%mul3A_4, %dma_wait3A_834] : memref<819200x64xf32, #tpu.memory_space<hbm>> -> memref<128x64xf32, #tpu.memory_space<hbm>>
      %dma_wait3A_836 = arith.constant 0 : i32
      %dma_wait3A_837 = arith.constant 0 : i32
      %dma_wait3A_838 = tpu.memref_slice %arg6[%dma_wait3A_827, %dma_wait3A_836, %dma_wait3A_837] : memref<8x128x64xf32, #tpu.memory_space<vmem>> -> memref<1x128x64xf32, #tpu.memory_space<vmem>>
      %dma_wait3A_839 = tpu.memref_squeeze %dma_wait3A_838 : memref<1x128x64xf32, #tpu.memory_space<vmem>> -> memref<128x64xf32, #tpu.memory_space<vmem>>
      tpu.wait_dma2 semaphore(%arg16 : memref<!tpu.dma_semaphore, #tpu.memory_space<semaphore_mem>>) src(%dma_wait3A_839 : memref<128x64xf32, #tpu.memory_space<vmem>>) dst(%dma_wait3A_835 : memref<128x64xf32, #tpu.memory_space<hbm>>)
      %dma_wait3A_840 = arith.constant 7 : i32
      %dma_wait3A_841 = arith.constant 0 : i32
      %dma_wait3A_842 = arith.constant 0 : i32
      %dma_wait3A_843 = tpu.memref_slice %arg6[%dma_wait3A_840, %dma_wait3A_841, %dma_wait3A_842] : memref<8x128x64xf32, #tpu.memory_space<vmem>> -> memref<1x128x64xf32, #tpu.memory_space<vmem>>
      %dma_wait3A_844 = tpu.memref_squeeze %dma_wait3A_843 : memref<1x128x64xf32, #tpu.memory_space<vmem>> -> memref<128x64xf32, #tpu.memory_space<vmem>>
      %dma_wait3A_845 = arith.constant 0 : i32
      %dma_wait3A_846 = tpu.memref_slice %arg4[%mul3A_4, %dma_wait3A_845] : memref<819200x64xf32, #tpu.memory_space<hbm>> -> memref<128x64xf32, #tpu.memory_space<hbm>>
      %dma_wait3A_847 = arith.constant 0 : i32
      %dma_wait3A_848 = tpu.memref_slice %arg4[%mul3A_4, %dma_wait3A_847] : memref<819200x64xf32, #tpu.memory_space<hbm>> -> memref<128x64xf32, #tpu.memory_space<hbm>>
      %dma_wait3A_849 = arith.constant 0 : i32
      %dma_wait3A_850 = arith.constant 0 : i32
      %dma_wait3A_851 = tpu.memref_slice %arg6[%dma_wait3A_840, %dma_wait3A_849, %dma_wait3A_850] : memref<8x128x64xf32, #tpu.memory_space<vmem>> -> memref<1x128x64xf32, #tpu.memory_space<vmem>>
      %dma_wait3A_852 = tpu.memref_squeeze %dma_wait3A_851 : memref<1x128x64xf32, #tpu.memory_space<vmem>> -> memref<128x64xf32, #tpu.memory_space<vmem>>
      tpu.wait_dma2 semaphore(%arg16 : memref<!tpu.dma_semaphore, #tpu.memory_space<semaphore_mem>>) src(%dma_wait3A_852 : memref<128x64xf32, #tpu.memory_space<vmem>>) dst(%dma_wait3A_848 : memref<128x64xf32, #tpu.memory_space<hbm>>)
      %add3A_853 = arith.constant 3 : i32
      %add3A_854 = arith.addi %mul3A_428, %add3A_853 : i32
      %mul3A_855 = arith.constant 4 : i32
      %mul3A_856 = arith.muli %add3A_854, %mul3A_855 : i32
      %add3A_857 = arith.constant 0 : i32
      %add3A_858 = arith.addi %mul3A_856, %add3A_857 : i32
      %dma_start3A_859 = arith.constant 4 : i32
      %dma_start3A_860 = arith.constant 0 : i32
      %dma_start3A_861 = arith.constant 0 : i32
      %dma_start3A_862 = tpu.memref_slice %arg6[%dma_start3A_859, %dma_start3A_860, %dma_start3A_861] : memref<8x128x64xf32, #tpu.memory_space<vmem>> -> memref<1x128x64xf32, #tpu.memory_space<vmem>>
      %dma_start3A_863 = tpu.memref_squeeze %dma_start3A_862 : memref<1x128x64xf32, #tpu.memory_space<vmem>> -> memref<128x64xf32, #tpu.memory_space<vmem>>
      %dma_start3A_864 = arith.constant 0 : i32
      %dma_start3A_865 = tpu.memref_slice %arg5[%add3A_858, %dma_start3A_864] : memref<200x128xi32, #tpu.memory_space<vmem>> -> memref<1x128xi32, #tpu.memory_space<vmem>>
      %dma_start3A_866 = tpu.memref_squeeze %dma_start3A_865 : memref<1x128xi32, #tpu.memory_space<vmem>> -> memref<128xi32, #tpu.memory_space<vmem>>
      %dma_start3A_867 = arith.constant 0 : i32
      %dma_start3A_868 = arith.constant 0 : i32
      %dma_start3A_869 = tpu.memref_slice %arg3[%dma_start3A_867, %dma_start3A_868] : memref<1000000x64xf32, #tpu.memory_space<hbm>> -> memref<1000000x64xf32, #tpu.memory_space<hbm>>
      tpu.enqueue_indirect_dma source(%dma_start3A_869 : memref<1000000x64xf32, #tpu.memory_space<hbm>>) target(%dma_start3A_863 : memref<128x64xf32, #tpu.memory_space<vmem>>) offsets(%dma_start3A_866 : memref<128xi32, #tpu.memory_space<vmem>>) semaphore(%arg11 : memref<!tpu.dma_semaphore, #tpu.memory_space<semaphore_mem>>)
      %mul3A_870 = arith.constant 4 : i32
      %mul3A_871 = arith.muli %add3A_854, %mul3A_870 : i32
      %add3A_872 = arith.constant 1 : i32
      %add3A_873 = arith.addi %mul3A_871, %add3A_872 : i32
      %dma_start3A_874 = arith.constant 5 : i32
      %dma_start3A_875 = arith.constant 0 : i32
      %dma_start3A_876 = arith.constant 0 : i32
      %dma_start3A_877 = tpu.memref_slice %arg6[%dma_start3A_874, %dma_start3A_875, %dma_start3A_876] : memref<8x128x64xf32, #tpu.memory_space<vmem>> -> memref<1x128x64xf32, #tpu.memory_space<vmem>>
      %dma_start3A_878 = tpu.memref_squeeze %dma_start3A_877 : memref<1x128x64xf32, #tpu.memory_space<vmem>> -> memref<128x64xf32, #tpu.memory_space<vmem>>
      %dma_start3A_879 = arith.constant 0 : i32
      %dma_start3A_880 = tpu.memref_slice %arg5[%add3A_873, %dma_start3A_879] : memref<200x128xi32, #tpu.memory_space<vmem>> -> memref<1x128xi32, #tpu.memory_space<vmem>>
      %dma_start3A_881 = tpu.memref_squeeze %dma_start3A_880 : memref<1x128xi32, #tpu.memory_space<vmem>> -> memref<128xi32, #tpu.memory_space<vmem>>
      %dma_start3A_882 = arith.constant 0 : i32
      %dma_start3A_883 = arith.constant 0 : i32
      %dma_start3A_884 = tpu.memref_slice %arg3[%dma_start3A_882, %dma_start3A_883] : memref<1000000x64xf32, #tpu.memory_space<hbm>> -> memref<1000000x64xf32, #tpu.memory_space<hbm>>
      tpu.enqueue_indirect_dma source(%dma_start3A_884 : memref<1000000x64xf32, #tpu.memory_space<hbm>>) target(%dma_start3A_878 : memref<128x64xf32, #tpu.memory_space<vmem>>) offsets(%dma_start3A_881 : memref<128xi32, #tpu.memory_space<vmem>>) semaphore(%arg12 : memref<!tpu.dma_semaphore, #tpu.memory_space<semaphore_mem>>)
      %mul3A_885 = arith.constant 4 : i32
      %mul3A_886 = arith.muli %add3A_854, %mul3A_885 : i32
      %add3A_887 = arith.constant 2 : i32
      %add3A_888 = arith.addi %mul3A_886, %add3A_887 : i32
      %dma_start3A_889 = arith.constant 6 : i32
      %dma_start3A_890 = arith.constant 0 : i32
      %dma_start3A_891 = arith.constant 0 : i32
      %dma_start3A_892 = tpu.memref_slice %arg6[%dma_start3A_889, %dma_start3A_890, %dma_start3A_891] : memref<8x128x64xf32, #tpu.memory_space<vmem>> -> memref<1x128x64xf32, #tpu.memory_space<vmem>>
      %dma_start3A_893 = tpu.memref_squeeze %dma_start3A_892 : memref<1x128x64xf32, #tpu.memory_space<vmem>> -> memref<128x64xf32, #tpu.memory_space<vmem>>
      %dma_start3A_894 = arith.constant 0 : i32
      %dma_start3A_895 = tpu.memref_slice %arg5[%add3A_888, %dma_start3A_894] : memref<200x128xi32, #tpu.memory_space<vmem>> -> memref<1x128xi32, #tpu.memory_space<vmem>>
      %dma_start3A_896 = tpu.memref_squeeze %dma_start3A_895 : memref<1x128xi32, #tpu.memory_space<vmem>> -> memref<128xi32, #tpu.memory_space<vmem>>
      %dma_start3A_897 = arith.constant 0 : i32
      %dma_start3A_898 = arith.constant 0 : i32
      %dma_start3A_899 = tpu.memref_slice %arg3[%dma_start3A_897, %dma_start3A_898] : memref<1000000x64xf32, #tpu.memory_space<hbm>> -> memref<1000000x64xf32, #tpu.memory_space<hbm>>
      tpu.enqueue_indirect_dma source(%dma_start3A_899 : memref<1000000x64xf32, #tpu.memory_space<hbm>>) target(%dma_start3A_893 : memref<128x64xf32, #tpu.memory_space<vmem>>) offsets(%dma_start3A_896 : memref<128xi32, #tpu.memory_space<vmem>>) semaphore(%arg13 : memref<!tpu.dma_semaphore, #tpu.memory_space<semaphore_mem>>)
      %mul3A_900 = arith.constant 4 : i32
      %mul3A_901 = arith.muli %add3A_854, %mul3A_900 : i32
      %add3A_902 = arith.constant 3 : i32
      %add3A_903 = arith.addi %mul3A_901, %add3A_902 : i32
      %dma_start3A_904 = arith.constant 7 : i32
      %dma_start3A_905 = arith.constant 0 : i32
      %dma_start3A_906 = arith.constant 0 : i32
      %dma_start3A_907 = tpu.memref_slice %arg6[%dma_start3A_904, %dma_start3A_905, %dma_start3A_906] : memref<8x128x64xf32, #tpu.memory_space<vmem>> -> memref<1x128x64xf32, #tpu.memory_space<vmem>>
      %dma_start3A_908 = tpu.memref_squeeze %dma_start3A_907 : memref<1x128x64xf32, #tpu.memory_space<vmem>> -> memref<128x64xf32, #tpu.memory_space<vmem>>
      %dma_start3A_909 = arith.constant 0 : i32
      %dma_start3A_910 = tpu.memref_slice %arg5[%add3A_903, %dma_start3A_909] : memref<200x128xi32, #tpu.memory_space<vmem>> -> memref<1x128xi32, #tpu.memory_space<vmem>>
      %dma_start3A_911 = tpu.memref_squeeze %dma_start3A_910 : memref<1x128xi32, #tpu.memory_space<vmem>> -> memref<128xi32, #tpu.memory_space<vmem>>
      %dma_start3A_912 = arith.constant 0 : i32
      %dma_start3A_913 = arith.constant 0 : i32
      %dma_start3A_914 = tpu.memref_slice %arg3[%dma_start3A_912, %dma_start3A_913] : memref<1000000x64xf32, #tpu.memory_space<hbm>> -> memref<1000000x64xf32, #tpu.memory_space<hbm>>
      tpu.enqueue_indirect_dma source(%dma_start3A_914 : memref<1000000x64xf32, #tpu.memory_space<hbm>>) target(%dma_start3A_908 : memref<128x64xf32, #tpu.memory_space<vmem>>) offsets(%dma_start3A_911 : memref<128xi32, #tpu.memory_space<vmem>>) semaphore(%arg14 : memref<!tpu.dma_semaphore, #tpu.memory_space<semaphore_mem>>)
    }
    %scan3A_106 = arith.constant 24 : i32
    %dma_wait3A = arith.constant 0 : i32
    %dma_wait3A_107 = arith.constant 0 : i32
    %dma_wait3A_108 = arith.constant 0 : i32
    %dma_wait3A_109 = arith.constant 0 : i32
    %dma_wait3A_110 = tpu.memref_slice %arg6[%dma_wait3A_107, %dma_wait3A_108, %dma_wait3A_109] : memref<8x128x64xf32, #tpu.memory_space<vmem>> -> memref<1x128x64xf32, #tpu.memory_space<vmem>>
    %dma_wait3A_111 = tpu.memref_squeeze %dma_wait3A_110 : memref<1x128x64xf32, #tpu.memory_space<vmem>> -> memref<128x64xf32, #tpu.memory_space<vmem>>
    %dma_wait3A_112 = arith.constant 0 : i32
    %dma_wait3A_113 = tpu.memref_slice %arg5[%dma_wait3A, %dma_wait3A_112] : memref<200x128xi32, #tpu.memory_space<vmem>> -> memref<1x128xi32, #tpu.memory_space<vmem>>
    %dma_wait3A_114 = tpu.memref_squeeze %dma_wait3A_113 : memref<1x128xi32, #tpu.memory_space<vmem>> -> memref<128xi32, #tpu.memory_space<vmem>>
    %dma_wait3A_115 = arith.constant 0 : i32
    %dma_wait3A_116 = arith.constant 0 : i32
    %dma_wait3A_117 = tpu.memref_slice %arg3[%dma_wait3A_115, %dma_wait3A_116] : memref<1000000x64xf32, #tpu.memory_space<hbm>> -> memref<1000000x64xf32, #tpu.memory_space<hbm>>
    tpu.wait_indirect_dma semaphore(%arg7 : memref<!tpu.dma_semaphore, #tpu.memory_space<semaphore_mem>>) src(%dma_wait3A_117 : memref<1000000x64xf32, #tpu.memory_space<hbm>>) dst(%dma_wait3A_111 : memref<128x64xf32, #tpu.memory_space<vmem>>)
    %add3A_118 = arith.constant 24576 : i32
    %add3A_119 = arith.addi %mul3A_4, %add3A_118 : i32
    %dma_start3A_120 = arith.constant 0 : i32
    %dma_start3A_121 = arith.constant 0 : i32
    %dma_start3A_122 = arith.constant 0 : i32
    %dma_start3A_123 = tpu.memref_slice %arg6[%dma_start3A_120, %dma_start3A_121, %dma_start3A_122] : memref<8x128x64xf32, #tpu.memory_space<vmem>> -> memref<1x128x64xf32, #tpu.memory_space<vmem>>
    %dma_start3A_124 = tpu.memref_squeeze %dma_start3A_123 : memref<1x128x64xf32, #tpu.memory_space<vmem>> -> memref<128x64xf32, #tpu.memory_space<vmem>>
    %dma_start3A_125 = arith.constant 0 : i32
    %dma_start3A_126 = tpu.memref_slice %arg4[%add3A_119, %dma_start3A_125] : memref<819200x64xf32, #tpu.memory_space<hbm>> -> memref<128x64xf32, #tpu.memory_space<hbm>>
    %dma_start3A_127 = arith.constant 0 : i32
    %dma_start3A_128 = tpu.memref_slice %arg4[%add3A_119, %dma_start3A_127] : memref<819200x64xf32, #tpu.memory_space<hbm>> -> memref<128x64xf32, #tpu.memory_space<hbm>>
    %dma_start3A_129 = arith.constant 0 : i32
    %dma_start3A_130 = arith.constant 0 : i32
    %dma_start3A_131 = tpu.memref_slice %arg6[%dma_start3A_120, %dma_start3A_129, %dma_start3A_130] : memref<8x128x64xf32, #tpu.memory_space<vmem>> -> memref<1x128x64xf32, #tpu.memory_space<vmem>>
    %dma_start3A_132 = tpu.memref_squeeze %dma_start3A_131 : memref<1x128x64xf32, #tpu.memory_space<vmem>> -> memref<128x64xf32, #tpu.memory_space<vmem>>
    tpu.enqueue_dma source(%dma_start3A_132 : memref<128x64xf32, #tpu.memory_space<vmem>>) target(%dma_start3A_128 : memref<128x64xf32, #tpu.memory_space<hbm>>) target_semaphore(%arg15 : memref<!tpu.dma_semaphore, #tpu.memory_space<semaphore_mem>>)
    %dma_wait3A_133 = arith.constant 0 : i32
    %dma_wait3A_134 = arith.constant 1 : i32
    %dma_wait3A_135 = arith.constant 0 : i32
    %dma_wait3A_136 = arith.constant 0 : i32
    %dma_wait3A_137 = tpu.memref_slice %arg6[%dma_wait3A_134, %dma_wait3A_135, %dma_wait3A_136] : memref<8x128x64xf32, #tpu.memory_space<vmem>> -> memref<1x128x64xf32, #tpu.memory_space<vmem>>
    %dma_wait3A_138 = tpu.memref_squeeze %dma_wait3A_137 : memref<1x128x64xf32, #tpu.memory_space<vmem>> -> memref<128x64xf32, #tpu.memory_space<vmem>>
    %dma_wait3A_139 = arith.constant 0 : i32
    %dma_wait3A_140 = tpu.memref_slice %arg5[%dma_wait3A_133, %dma_wait3A_139] : memref<200x128xi32, #tpu.memory_space<vmem>> -> memref<1x128xi32, #tpu.memory_space<vmem>>
    %dma_wait3A_141 = tpu.memref_squeeze %dma_wait3A_140 : memref<1x128xi32, #tpu.memory_space<vmem>> -> memref<128xi32, #tpu.memory_space<vmem>>
    %dma_wait3A_142 = arith.constant 0 : i32
    %dma_wait3A_143 = arith.constant 0 : i32
    %dma_wait3A_144 = tpu.memref_slice %arg3[%dma_wait3A_142, %dma_wait3A_143] : memref<1000000x64xf32, #tpu.memory_space<hbm>> -> memref<1000000x64xf32, #tpu.memory_space<hbm>>
    tpu.wait_indirect_dma semaphore(%arg8 : memref<!tpu.dma_semaphore, #tpu.memory_space<semaphore_mem>>) src(%dma_wait3A_144 : memref<1000000x64xf32, #tpu.memory_space<hbm>>) dst(%dma_wait3A_138 : memref<128x64xf32, #tpu.memory_space<vmem>>)
    %add3A_145 = arith.constant 24704 : i32
    %add3A_146 = arith.addi %mul3A_4, %add3A_145 : i32
    %dma_start3A_147 = arith.constant 1 : i32
    %dma_start3A_148 = arith.constant 0 : i32
    %dma_start3A_149 = arith.constant 0 : i32
    %dma_start3A_150 = tpu.memref_slice %arg6[%dma_start3A_147, %dma_start3A_148, %dma_start3A_149] : memref<8x128x64xf32, #tpu.memory_space<vmem>> -> memref<1x128x64xf32, #tpu.memory_space<vmem>>
    %dma_start3A_151 = tpu.memref_squeeze %dma_start3A_150 : memref<1x128x64xf32, #tpu.memory_space<vmem>> -> memref<128x64xf32, #tpu.memory_space<vmem>>
    %dma_start3A_152 = arith.constant 0 : i32
    %dma_start3A_153 = tpu.memref_slice %arg4[%add3A_146, %dma_start3A_152] : memref<819200x64xf32, #tpu.memory_space<hbm>> -> memref<128x64xf32, #tpu.memory_space<hbm>>
    %dma_start3A_154 = arith.constant 0 : i32
    %dma_start3A_155 = tpu.memref_slice %arg4[%add3A_146, %dma_start3A_154] : memref<819200x64xf32, #tpu.memory_space<hbm>> -> memref<128x64xf32, #tpu.memory_space<hbm>>
    %dma_start3A_156 = arith.constant 0 : i32
    %dma_start3A_157 = arith.constant 0 : i32
    %dma_start3A_158 = tpu.memref_slice %arg6[%dma_start3A_147, %dma_start3A_156, %dma_start3A_157] : memref<8x128x64xf32, #tpu.memory_space<vmem>> -> memref<1x128x64xf32, #tpu.memory_space<vmem>>
    %dma_start3A_159 = tpu.memref_squeeze %dma_start3A_158 : memref<1x128x64xf32, #tpu.memory_space<vmem>> -> memref<128x64xf32, #tpu.memory_space<vmem>>
    tpu.enqueue_dma source(%dma_start3A_159 : memref<128x64xf32, #tpu.memory_space<vmem>>) target(%dma_start3A_155 : memref<128x64xf32, #tpu.memory_space<hbm>>) target_semaphore(%arg15 : memref<!tpu.dma_semaphore, #tpu.memory_space<semaphore_mem>>)
    %dma_wait3A_160 = arith.constant 0 : i32
    %dma_wait3A_161 = arith.constant 2 : i32
    %dma_wait3A_162 = arith.constant 0 : i32
    %dma_wait3A_163 = arith.constant 0 : i32
    %dma_wait3A_164 = tpu.memref_slice %arg6[%dma_wait3A_161, %dma_wait3A_162, %dma_wait3A_163] : memref<8x128x64xf32, #tpu.memory_space<vmem>> -> memref<1x128x64xf32, #tpu.memory_space<vmem>>
    %dma_wait3A_165 = tpu.memref_squeeze %dma_wait3A_164 : memref<1x128x64xf32, #tpu.memory_space<vmem>> -> memref<128x64xf32, #tpu.memory_space<vmem>>
    %dma_wait3A_166 = arith.constant 0 : i32
    %dma_wait3A_167 = tpu.memref_slice %arg5[%dma_wait3A_160, %dma_wait3A_166] : memref<200x128xi32, #tpu.memory_space<vmem>> -> memref<1x128xi32, #tpu.memory_space<vmem>>
    %dma_wait3A_168 = tpu.memref_squeeze %dma_wait3A_167 : memref<1x128xi32, #tpu.memory_space<vmem>> -> memref<128xi32, #tpu.memory_space<vmem>>
    %dma_wait3A_169 = arith.constant 0 : i32
    %dma_wait3A_170 = arith.constant 0 : i32
    %dma_wait3A_171 = tpu.memref_slice %arg3[%dma_wait3A_169, %dma_wait3A_170] : memref<1000000x64xf32, #tpu.memory_space<hbm>> -> memref<1000000x64xf32, #tpu.memory_space<hbm>>
    tpu.wait_indirect_dma semaphore(%arg9 : memref<!tpu.dma_semaphore, #tpu.memory_space<semaphore_mem>>) src(%dma_wait3A_171 : memref<1000000x64xf32, #tpu.memory_space<hbm>>) dst(%dma_wait3A_165 : memref<128x64xf32, #tpu.memory_space<vmem>>)
    %add3A_172 = arith.constant 24832 : i32
    %add3A_173 = arith.addi %mul3A_4, %add3A_172 : i32
    %dma_start3A_174 = arith.constant 2 : i32
    %dma_start3A_175 = arith.constant 0 : i32
    %dma_start3A_176 = arith.constant 0 : i32
    %dma_start3A_177 = tpu.memref_slice %arg6[%dma_start3A_174, %dma_start3A_175, %dma_start3A_176] : memref<8x128x64xf32, #tpu.memory_space<vmem>> -> memref<1x128x64xf32, #tpu.memory_space<vmem>>
    %dma_start3A_178 = tpu.memref_squeeze %dma_start3A_177 : memref<1x128x64xf32, #tpu.memory_space<vmem>> -> memref<128x64xf32, #tpu.memory_space<vmem>>
    %dma_start3A_179 = arith.constant 0 : i32
    %dma_start3A_180 = tpu.memref_slice %arg4[%add3A_173, %dma_start3A_179] : memref<819200x64xf32, #tpu.memory_space<hbm>> -> memref<128x64xf32, #tpu.memory_space<hbm>>
    %dma_start3A_181 = arith.constant 0 : i32
    %dma_start3A_182 = tpu.memref_slice %arg4[%add3A_173, %dma_start3A_181] : memref<819200x64xf32, #tpu.memory_space<hbm>> -> memref<128x64xf32, #tpu.memory_space<hbm>>
    %dma_start3A_183 = arith.constant 0 : i32
    %dma_start3A_184 = arith.constant 0 : i32
    %dma_start3A_185 = tpu.memref_slice %arg6[%dma_start3A_174, %dma_start3A_183, %dma_start3A_184] : memref<8x128x64xf32, #tpu.memory_space<vmem>> -> memref<1x128x64xf32, #tpu.memory_space<vmem>>
    %dma_start3A_186 = tpu.memref_squeeze %dma_start3A_185 : memref<1x128x64xf32, #tpu.memory_space<vmem>> -> memref<128x64xf32, #tpu.memory_space<vmem>>
    tpu.enqueue_dma source(%dma_start3A_186 : memref<128x64xf32, #tpu.memory_space<vmem>>) target(%dma_start3A_182 : memref<128x64xf32, #tpu.memory_space<hbm>>) target_semaphore(%arg15 : memref<!tpu.dma_semaphore, #tpu.memory_space<semaphore_mem>>)
    %dma_wait3A_187 = arith.constant 0 : i32
    %dma_wait3A_188 = arith.constant 3 : i32
    %dma_wait3A_189 = arith.constant 0 : i32
    %dma_wait3A_190 = arith.constant 0 : i32
    %dma_wait3A_191 = tpu.memref_slice %arg6[%dma_wait3A_188, %dma_wait3A_189, %dma_wait3A_190] : memref<8x128x64xf32, #tpu.memory_space<vmem>> -> memref<1x128x64xf32, #tpu.memory_space<vmem>>
    %dma_wait3A_192 = tpu.memref_squeeze %dma_wait3A_191 : memref<1x128x64xf32, #tpu.memory_space<vmem>> -> memref<128x64xf32, #tpu.memory_space<vmem>>
    %dma_wait3A_193 = arith.constant 0 : i32
    %dma_wait3A_194 = tpu.memref_slice %arg5[%dma_wait3A_187, %dma_wait3A_193] : memref<200x128xi32, #tpu.memory_space<vmem>> -> memref<1x128xi32, #tpu.memory_space<vmem>>
    %dma_wait3A_195 = tpu.memref_squeeze %dma_wait3A_194 : memref<1x128xi32, #tpu.memory_space<vmem>> -> memref<128xi32, #tpu.memory_space<vmem>>
    %dma_wait3A_196 = arith.constant 0 : i32
    %dma_wait3A_197 = arith.constant 0 : i32
    %dma_wait3A_198 = tpu.memref_slice %arg3[%dma_wait3A_196, %dma_wait3A_197] : memref<1000000x64xf32, #tpu.memory_space<hbm>> -> memref<1000000x64xf32, #tpu.memory_space<hbm>>
    tpu.wait_indirect_dma semaphore(%arg10 : memref<!tpu.dma_semaphore, #tpu.memory_space<semaphore_mem>>) src(%dma_wait3A_198 : memref<1000000x64xf32, #tpu.memory_space<hbm>>) dst(%dma_wait3A_192 : memref<128x64xf32, #tpu.memory_space<vmem>>)
    %add3A_199 = arith.constant 24960 : i32
    %add3A_200 = arith.addi %mul3A_4, %add3A_199 : i32
    %dma_start3A_201 = arith.constant 3 : i32
    %dma_start3A_202 = arith.constant 0 : i32
    %dma_start3A_203 = arith.constant 0 : i32
    %dma_start3A_204 = tpu.memref_slice %arg6[%dma_start3A_201, %dma_start3A_202, %dma_start3A_203] : memref<8x128x64xf32, #tpu.memory_space<vmem>> -> memref<1x128x64xf32, #tpu.memory_space<vmem>>
    %dma_start3A_205 = tpu.memref_squeeze %dma_start3A_204 : memref<1x128x64xf32, #tpu.memory_space<vmem>> -> memref<128x64xf32, #tpu.memory_space<vmem>>
    %dma_start3A_206 = arith.constant 0 : i32
    %dma_start3A_207 = tpu.memref_slice %arg4[%add3A_200, %dma_start3A_206] : memref<819200x64xf32, #tpu.memory_space<hbm>> -> memref<128x64xf32, #tpu.memory_space<hbm>>
    %dma_start3A_208 = arith.constant 0 : i32
    %dma_start3A_209 = tpu.memref_slice %arg4[%add3A_200, %dma_start3A_208] : memref<819200x64xf32, #tpu.memory_space<hbm>> -> memref<128x64xf32, #tpu.memory_space<hbm>>
    %dma_start3A_210 = arith.constant 0 : i32
    %dma_start3A_211 = arith.constant 0 : i32
    %dma_start3A_212 = tpu.memref_slice %arg6[%dma_start3A_201, %dma_start3A_210, %dma_start3A_211] : memref<8x128x64xf32, #tpu.memory_space<vmem>> -> memref<1x128x64xf32, #tpu.memory_space<vmem>>
    %dma_start3A_213 = tpu.memref_squeeze %dma_start3A_212 : memref<1x128x64xf32, #tpu.memory_space<vmem>> -> memref<128x64xf32, #tpu.memory_space<vmem>>
    tpu.enqueue_dma source(%dma_start3A_213 : memref<128x64xf32, #tpu.memory_space<vmem>>) target(%dma_start3A_209 : memref<128x64xf32, #tpu.memory_space<hbm>>) target_semaphore(%arg15 : memref<!tpu.dma_semaphore, #tpu.memory_space<semaphore_mem>>)
    %dma_wait3A_214 = arith.constant 0 : i32
    %dma_wait3A_215 = arith.constant 0 : i32
    %dma_wait3A_216 = arith.constant 0 : i32
    %dma_wait3A_217 = tpu.memref_slice %arg6[%dma_wait3A_214, %dma_wait3A_215, %dma_wait3A_216] : memref<8x128x64xf32, #tpu.memory_space<vmem>> -> memref<1x128x64xf32, #tpu.memory_space<vmem>>
    %dma_wait3A_218 = tpu.memref_squeeze %dma_wait3A_217 : memref<1x128x64xf32, #tpu.memory_space<vmem>> -> memref<128x64xf32, #tpu.memory_space<vmem>>
    %dma_wait3A_219 = arith.constant 0 : i32
    %dma_wait3A_220 = tpu.memref_slice %arg4[%mul3A_4, %dma_wait3A_219] : memref<819200x64xf32, #tpu.memory_space<hbm>> -> memref<128x64xf32, #tpu.memory_space<hbm>>
    %dma_wait3A_221 = arith.constant 0 : i32
    %dma_wait3A_222 = tpu.memref_slice %arg4[%mul3A_4, %dma_wait3A_221] : memref<819200x64xf32, #tpu.memory_space<hbm>> -> memref<128x64xf32, #tpu.memory_space<hbm>>
    %dma_wait3A_223 = arith.constant 0 : i32
    %dma_wait3A_224 = arith.constant 0 : i32
    %dma_wait3A_225 = tpu.memref_slice %arg6[%dma_wait3A_214, %dma_wait3A_223, %dma_wait3A_224] : memref<8x128x64xf32, #tpu.memory_space<vmem>> -> memref<1x128x64xf32, #tpu.memory_space<vmem>>
    %dma_wait3A_226 = tpu.memref_squeeze %dma_wait3A_225 : memref<1x128x64xf32, #tpu.memory_space<vmem>> -> memref<128x64xf32, #tpu.memory_space<vmem>>
    tpu.wait_dma2 semaphore(%arg15 : memref<!tpu.dma_semaphore, #tpu.memory_space<semaphore_mem>>) src(%dma_wait3A_226 : memref<128x64xf32, #tpu.memory_space<vmem>>) dst(%dma_wait3A_222 : memref<128x64xf32, #tpu.memory_space<hbm>>)
    %dma_wait3A_227 = arith.constant 1 : i32
    %dma_wait3A_228 = arith.constant 0 : i32
    %dma_wait3A_229 = arith.constant 0 : i32
    %dma_wait3A_230 = tpu.memref_slice %arg6[%dma_wait3A_227, %dma_wait3A_228, %dma_wait3A_229] : memref<8x128x64xf32, #tpu.memory_space<vmem>> -> memref<1x128x64xf32, #tpu.memory_space<vmem>>
    %dma_wait3A_231 = tpu.memref_squeeze %dma_wait3A_230 : memref<1x128x64xf32, #tpu.memory_space<vmem>> -> memref<128x64xf32, #tpu.memory_space<vmem>>
    %dma_wait3A_232 = arith.constant 0 : i32
    %dma_wait3A_233 = tpu.memref_slice %arg4[%mul3A_4, %dma_wait3A_232] : memref<819200x64xf32, #tpu.memory_space<hbm>> -> memref<128x64xf32, #tpu.memory_space<hbm>>
    %dma_wait3A_234 = arith.constant 0 : i32
    %dma_wait3A_235 = tpu.memref_slice %arg4[%mul3A_4, %dma_wait3A_234] : memref<819200x64xf32, #tpu.memory_space<hbm>> -> memref<128x64xf32, #tpu.memory_space<hbm>>
    %dma_wait3A_236 = arith.constant 0 : i32
    %dma_wait3A_237 = arith.constant 0 : i32
    %dma_wait3A_238 = tpu.memref_slice %arg6[%dma_wait3A_227, %dma_wait3A_236, %dma_wait3A_237] : memref<8x128x64xf32, #tpu.memory_space<vmem>> -> memref<1x128x64xf32, #tpu.memory_space<vmem>>
    %dma_wait3A_239 = tpu.memref_squeeze %dma_wait3A_238 : memref<1x128x64xf32, #tpu.memory_space<vmem>> -> memref<128x64xf32, #tpu.memory_space<vmem>>
    tpu.wait_dma2 semaphore(%arg15 : memref<!tpu.dma_semaphore, #tpu.memory_space<semaphore_mem>>) src(%dma_wait3A_239 : memref<128x64xf32, #tpu.memory_space<vmem>>) dst(%dma_wait3A_235 : memref<128x64xf32, #tpu.memory_space<hbm>>)
    %dma_wait3A_240 = arith.constant 2 : i32
    %dma_wait3A_241 = arith.constant 0 : i32
    %dma_wait3A_242 = arith.constant 0 : i32
    %dma_wait3A_243 = tpu.memref_slice %arg6[%dma_wait3A_240, %dma_wait3A_241, %dma_wait3A_242] : memref<8x128x64xf32, #tpu.memory_space<vmem>> -> memref<1x128x64xf32, #tpu.memory_space<vmem>>
    %dma_wait3A_244 = tpu.memref_squeeze %dma_wait3A_243 : memref<1x128x64xf32, #tpu.memory_space<vmem>> -> memref<128x64xf32, #tpu.memory_space<vmem>>
    %dma_wait3A_245 = arith.constant 0 : i32
    %dma_wait3A_246 = tpu.memref_slice %arg4[%mul3A_4, %dma_wait3A_245] : memref<819200x64xf32, #tpu.memory_space<hbm>> -> memref<128x64xf32, #tpu.memory_space<hbm>>
    %dma_wait3A_247 = arith.constant 0 : i32
    %dma_wait3A_248 = tpu.memref_slice %arg4[%mul3A_4, %dma_wait3A_247] : memref<819200x64xf32, #tpu.memory_space<hbm>> -> memref<128x64xf32, #tpu.memory_space<hbm>>
    %dma_wait3A_249 = arith.constant 0 : i32
    %dma_wait3A_250 = arith.constant 0 : i32
    %dma_wait3A_251 = tpu.memref_slice %arg6[%dma_wait3A_240, %dma_wait3A_249, %dma_wait3A_250] : memref<8x128x64xf32, #tpu.memory_space<vmem>> -> memref<1x128x64xf32, #tpu.memory_space<vmem>>
    %dma_wait3A_252 = tpu.memref_squeeze %dma_wait3A_251 : memref<1x128x64xf32, #tpu.memory_space<vmem>> -> memref<128x64xf32, #tpu.memory_space<vmem>>
    tpu.wait_dma2 semaphore(%arg15 : memref<!tpu.dma_semaphore, #tpu.memory_space<semaphore_mem>>) src(%dma_wait3A_252 : memref<128x64xf32, #tpu.memory_space<vmem>>) dst(%dma_wait3A_248 : memref<128x64xf32, #tpu.memory_space<hbm>>)
    %dma_wait3A_253 = arith.constant 3 : i32
    %dma_wait3A_254 = arith.constant 0 : i32
    %dma_wait3A_255 = arith.constant 0 : i32
    %dma_wait3A_256 = tpu.memref_slice %arg6[%dma_wait3A_253, %dma_wait3A_254, %dma_wait3A_255] : memref<8x128x64xf32, #tpu.memory_space<vmem>> -> memref<1x128x64xf32, #tpu.memory_space<vmem>>
    %dma_wait3A_257 = tpu.memref_squeeze %dma_wait3A_256 : memref<1x128x64xf32, #tpu.memory_space<vmem>> -> memref<128x64xf32, #tpu.memory_space<vmem>>
    %dma_wait3A_258 = arith.constant 0 : i32
    %dma_wait3A_259 = tpu.memref_slice %arg4[%mul3A_4, %dma_wait3A_258] : memref<819200x64xf32, #tpu.memory_space<hbm>> -> memref<128x64xf32, #tpu.memory_space<hbm>>
    %dma_wait3A_260 = arith.constant 0 : i32
    %dma_wait3A_261 = tpu.memref_slice %arg4[%mul3A_4, %dma_wait3A_260] : memref<819200x64xf32, #tpu.memory_space<hbm>> -> memref<128x64xf32, #tpu.memory_space<hbm>>
    %dma_wait3A_262 = arith.constant 0 : i32
    %dma_wait3A_263 = arith.constant 0 : i32
    %dma_wait3A_264 = tpu.memref_slice %arg6[%dma_wait3A_253, %dma_wait3A_262, %dma_wait3A_263] : memref<8x128x64xf32, #tpu.memory_space<vmem>> -> memref<1x128x64xf32, #tpu.memory_space<vmem>>
    %dma_wait3A_265 = tpu.memref_squeeze %dma_wait3A_264 : memref<1x128x64xf32, #tpu.memory_space<vmem>> -> memref<128x64xf32, #tpu.memory_space<vmem>>
    tpu.wait_dma2 semaphore(%arg15 : memref<!tpu.dma_semaphore, #tpu.memory_space<semaphore_mem>>) src(%dma_wait3A_265 : memref<128x64xf32, #tpu.memory_space<vmem>>) dst(%dma_wait3A_261 : memref<128x64xf32, #tpu.memory_space<hbm>>)
    %dma_wait3A_266 = arith.constant 0 : i32
    %dma_wait3A_267 = arith.constant 4 : i32
    %dma_wait3A_268 = arith.constant 0 : i32
    %dma_wait3A_269 = arith.constant 0 : i32
    %dma_wait3A_270 = tpu.memref_slice %arg6[%dma_wait3A_267, %dma_wait3A_268, %dma_wait3A_269] : memref<8x128x64xf32, #tpu.memory_space<vmem>> -> memref<1x128x64xf32, #tpu.memory_space<vmem>>
    %dma_wait3A_271 = tpu.memref_squeeze %dma_wait3A_270 : memref<1x128x64xf32, #tpu.memory_space<vmem>> -> memref<128x64xf32, #tpu.memory_space<vmem>>
    %dma_wait3A_272 = arith.constant 0 : i32
    %dma_wait3A_273 = tpu.memref_slice %arg5[%dma_wait3A_266, %dma_wait3A_272] : memref<200x128xi32, #tpu.memory_space<vmem>> -> memref<1x128xi32, #tpu.memory_space<vmem>>
    %dma_wait3A_274 = tpu.memref_squeeze %dma_wait3A_273 : memref<1x128xi32, #tpu.memory_space<vmem>> -> memref<128xi32, #tpu.memory_space<vmem>>
    %dma_wait3A_275 = arith.constant 0 : i32
    %dma_wait3A_276 = arith.constant 0 : i32
    %dma_wait3A_277 = tpu.memref_slice %arg3[%dma_wait3A_275, %dma_wait3A_276] : memref<1000000x64xf32, #tpu.memory_space<hbm>> -> memref<1000000x64xf32, #tpu.memory_space<hbm>>
    tpu.wait_indirect_dma semaphore(%arg11 : memref<!tpu.dma_semaphore, #tpu.memory_space<semaphore_mem>>) src(%dma_wait3A_277 : memref<1000000x64xf32, #tpu.memory_space<hbm>>) dst(%dma_wait3A_271 : memref<128x64xf32, #tpu.memory_space<vmem>>)
    %add3A_278 = arith.constant 25088 : i32
    %add3A_279 = arith.addi %mul3A_4, %add3A_278 : i32
    %dma_start3A_280 = arith.constant 4 : i32
    %dma_start3A_281 = arith.constant 0 : i32
    %dma_start3A_282 = arith.constant 0 : i32
    %dma_start3A_283 = tpu.memref_slice %arg6[%dma_start3A_280, %dma_start3A_281, %dma_start3A_282] : memref<8x128x64xf32, #tpu.memory_space<vmem>> -> memref<1x128x64xf32, #tpu.memory_space<vmem>>
    %dma_start3A_284 = tpu.memref_squeeze %dma_start3A_283 : memref<1x128x64xf32, #tpu.memory_space<vmem>> -> memref<128x64xf32, #tpu.memory_space<vmem>>
    %dma_start3A_285 = arith.constant 0 : i32
    %dma_start3A_286 = tpu.memref_slice %arg4[%add3A_279, %dma_start3A_285] : memref<819200x64xf32, #tpu.memory_space<hbm>> -> memref<128x64xf32, #tpu.memory_space<hbm>>
    %dma_start3A_287 = arith.constant 0 : i32
    %dma_start3A_288 = tpu.memref_slice %arg4[%add3A_279, %dma_start3A_287] : memref<819200x64xf32, #tpu.memory_space<hbm>> -> memref<128x64xf32, #tpu.memory_space<hbm>>
    %dma_start3A_289 = arith.constant 0 : i32
    %dma_start3A_290 = arith.constant 0 : i32
    %dma_start3A_291 = tpu.memref_slice %arg6[%dma_start3A_280, %dma_start3A_289, %dma_start3A_290] : memref<8x128x64xf32, #tpu.memory_space<vmem>> -> memref<1x128x64xf32, #tpu.memory_space<vmem>>
    %dma_start3A_292 = tpu.memref_squeeze %dma_start3A_291 : memref<1x128x64xf32, #tpu.memory_space<vmem>> -> memref<128x64xf32, #tpu.memory_space<vmem>>
    tpu.enqueue_dma source(%dma_start3A_292 : memref<128x64xf32, #tpu.memory_space<vmem>>) target(%dma_start3A_288 : memref<128x64xf32, #tpu.memory_space<hbm>>) target_semaphore(%arg16 : memref<!tpu.dma_semaphore, #tpu.memory_space<semaphore_mem>>)
    %dma_wait3A_293 = arith.constant 0 : i32
    %dma_wait3A_294 = arith.constant 5 : i32
    %dma_wait3A_295 = arith.constant 0 : i32
    %dma_wait3A_296 = arith.constant 0 : i32
    %dma_wait3A_297 = tpu.memref_slice %arg6[%dma_wait3A_294, %dma_wait3A_295, %dma_wait3A_296] : memref<8x128x64xf32, #tpu.memory_space<vmem>> -> memref<1x128x64xf32, #tpu.memory_space<vmem>>
    %dma_wait3A_298 = tpu.memref_squeeze %dma_wait3A_297 : memref<1x128x64xf32, #tpu.memory_space<vmem>> -> memref<128x64xf32, #tpu.memory_space<vmem>>
    %dma_wait3A_299 = arith.constant 0 : i32
    %dma_wait3A_300 = tpu.memref_slice %arg5[%dma_wait3A_293, %dma_wait3A_299] : memref<200x128xi32, #tpu.memory_space<vmem>> -> memref<1x128xi32, #tpu.memory_space<vmem>>
    %dma_wait3A_301 = tpu.memref_squeeze %dma_wait3A_300 : memref<1x128xi32, #tpu.memory_space<vmem>> -> memref<128xi32, #tpu.memory_space<vmem>>
    %dma_wait3A_302 = arith.constant 0 : i32
    %dma_wait3A_303 = arith.constant 0 : i32
    %dma_wait3A_304 = tpu.memref_slice %arg3[%dma_wait3A_302, %dma_wait3A_303] : memref<1000000x64xf32, #tpu.memory_space<hbm>> -> memref<1000000x64xf32, #tpu.memory_space<hbm>>
    tpu.wait_indirect_dma semaphore(%arg12 : memref<!tpu.dma_semaphore, #tpu.memory_space<semaphore_mem>>) src(%dma_wait3A_304 : memref<1000000x64xf32, #tpu.memory_space<hbm>>) dst(%dma_wait3A_298 : memref<128x64xf32, #tpu.memory_space<vmem>>)
    %add3A_305 = arith.constant 25216 : i32
    %add3A_306 = arith.addi %mul3A_4, %add3A_305 : i32
    %dma_start3A_307 = arith.constant 5 : i32
    %dma_start3A_308 = arith.constant 0 : i32
    %dma_start3A_309 = arith.constant 0 : i32
    %dma_start3A_310 = tpu.memref_slice %arg6[%dma_start3A_307, %dma_start3A_308, %dma_start3A_309] : memref<8x128x64xf32, #tpu.memory_space<vmem>> -> memref<1x128x64xf32, #tpu.memory_space<vmem>>
    %dma_start3A_311 = tpu.memref_squeeze %dma_start3A_310 : memref<1x128x64xf32, #tpu.memory_space<vmem>> -> memref<128x64xf32, #tpu.memory_space<vmem>>
    %dma_start3A_312 = arith.constant 0 : i32
    %dma_start3A_313 = tpu.memref_slice %arg4[%add3A_306, %dma_start3A_312] : memref<819200x64xf32, #tpu.memory_space<hbm>> -> memref<128x64xf32, #tpu.memory_space<hbm>>
    %dma_start3A_314 = arith.constant 0 : i32
    %dma_start3A_315 = tpu.memref_slice %arg4[%add3A_306, %dma_start3A_314] : memref<819200x64xf32, #tpu.memory_space<hbm>> -> memref<128x64xf32, #tpu.memory_space<hbm>>
    %dma_start3A_316 = arith.constant 0 : i32
    %dma_start3A_317 = arith.constant 0 : i32
    %dma_start3A_318 = tpu.memref_slice %arg6[%dma_start3A_307, %dma_start3A_316, %dma_start3A_317] : memref<8x128x64xf32, #tpu.memory_space<vmem>> -> memref<1x128x64xf32, #tpu.memory_space<vmem>>
    %dma_start3A_319 = tpu.memref_squeeze %dma_start3A_318 : memref<1x128x64xf32, #tpu.memory_space<vmem>> -> memref<128x64xf32, #tpu.memory_space<vmem>>
    tpu.enqueue_dma source(%dma_start3A_319 : memref<128x64xf32, #tpu.memory_space<vmem>>) target(%dma_start3A_315 : memref<128x64xf32, #tpu.memory_space<hbm>>) target_semaphore(%arg16 : memref<!tpu.dma_semaphore, #tpu.memory_space<semaphore_mem>>)
    %dma_wait3A_320 = arith.constant 0 : i32
    %dma_wait3A_321 = arith.constant 6 : i32
    %dma_wait3A_322 = arith.constant 0 : i32
    %dma_wait3A_323 = arith.constant 0 : i32
    %dma_wait3A_324 = tpu.memref_slice %arg6[%dma_wait3A_321, %dma_wait3A_322, %dma_wait3A_323] : memref<8x128x64xf32, #tpu.memory_space<vmem>> -> memref<1x128x64xf32, #tpu.memory_space<vmem>>
    %dma_wait3A_325 = tpu.memref_squeeze %dma_wait3A_324 : memref<1x128x64xf32, #tpu.memory_space<vmem>> -> memref<128x64xf32, #tpu.memory_space<vmem>>
    %dma_wait3A_326 = arith.constant 0 : i32
    %dma_wait3A_327 = tpu.memref_slice %arg5[%dma_wait3A_320, %dma_wait3A_326] : memref<200x128xi32, #tpu.memory_space<vmem>> -> memref<1x128xi32, #tpu.memory_space<vmem>>
    %dma_wait3A_328 = tpu.memref_squeeze %dma_wait3A_327 : memref<1x128xi32, #tpu.memory_space<vmem>> -> memref<128xi32, #tpu.memory_space<vmem>>
    %dma_wait3A_329 = arith.constant 0 : i32
    %dma_wait3A_330 = arith.constant 0 : i32
    %dma_wait3A_331 = tpu.memref_slice %arg3[%dma_wait3A_329, %dma_wait3A_330] : memref<1000000x64xf32, #tpu.memory_space<hbm>> -> memref<1000000x64xf32, #tpu.memory_space<hbm>>
    tpu.wait_indirect_dma semaphore(%arg13 : memref<!tpu.dma_semaphore, #tpu.memory_space<semaphore_mem>>) src(%dma_wait3A_331 : memref<1000000x64xf32, #tpu.memory_space<hbm>>) dst(%dma_wait3A_325 : memref<128x64xf32, #tpu.memory_space<vmem>>)
    %add3A_332 = arith.constant 25344 : i32
    %add3A_333 = arith.addi %mul3A_4, %add3A_332 : i32
    %dma_start3A_334 = arith.constant 6 : i32
    %dma_start3A_335 = arith.constant 0 : i32
    %dma_start3A_336 = arith.constant 0 : i32
    %dma_start3A_337 = tpu.memref_slice %arg6[%dma_start3A_334, %dma_start3A_335, %dma_start3A_336] : memref<8x128x64xf32, #tpu.memory_space<vmem>> -> memref<1x128x64xf32, #tpu.memory_space<vmem>>
    %dma_start3A_338 = tpu.memref_squeeze %dma_start3A_337 : memref<1x128x64xf32, #tpu.memory_space<vmem>> -> memref<128x64xf32, #tpu.memory_space<vmem>>
    %dma_start3A_339 = arith.constant 0 : i32
    %dma_start3A_340 = tpu.memref_slice %arg4[%add3A_333, %dma_start3A_339] : memref<819200x64xf32, #tpu.memory_space<hbm>> -> memref<128x64xf32, #tpu.memory_space<hbm>>
    %dma_start3A_341 = arith.constant 0 : i32
    %dma_start3A_342 = tpu.memref_slice %arg4[%add3A_333, %dma_start3A_341] : memref<819200x64xf32, #tpu.memory_space<hbm>> -> memref<128x64xf32, #tpu.memory_space<hbm>>
    %dma_start3A_343 = arith.constant 0 : i32
    %dma_start3A_344 = arith.constant 0 : i32
    %dma_start3A_345 = tpu.memref_slice %arg6[%dma_start3A_334, %dma_start3A_343, %dma_start3A_344] : memref<8x128x64xf32, #tpu.memory_space<vmem>> -> memref<1x128x64xf32, #tpu.memory_space<vmem>>
    %dma_start3A_346 = tpu.memref_squeeze %dma_start3A_345 : memref<1x128x64xf32, #tpu.memory_space<vmem>> -> memref<128x64xf32, #tpu.memory_space<vmem>>
    tpu.enqueue_dma source(%dma_start3A_346 : memref<128x64xf32, #tpu.memory_space<vmem>>) target(%dma_start3A_342 : memref<128x64xf32, #tpu.memory_space<hbm>>) target_semaphore(%arg16 : memref<!tpu.dma_semaphore, #tpu.memory_space<semaphore_mem>>)
    %dma_wait3A_347 = arith.constant 0 : i32
    %dma_wait3A_348 = arith.constant 7 : i32
    %dma_wait3A_349 = arith.constant 0 : i32
    %dma_wait3A_350 = arith.constant 0 : i32
    %dma_wait3A_351 = tpu.memref_slice %arg6[%dma_wait3A_348, %dma_wait3A_349, %dma_wait3A_350] : memref<8x128x64xf32, #tpu.memory_space<vmem>> -> memref<1x128x64xf32, #tpu.memory_space<vmem>>
    %dma_wait3A_352 = tpu.memref_squeeze %dma_wait3A_351 : memref<1x128x64xf32, #tpu.memory_space<vmem>> -> memref<128x64xf32, #tpu.memory_space<vmem>>
    %dma_wait3A_353 = arith.constant 0 : i32
    %dma_wait3A_354 = tpu.memref_slice %arg5[%dma_wait3A_347, %dma_wait3A_353] : memref<200x128xi32, #tpu.memory_space<vmem>> -> memref<1x128xi32, #tpu.memory_space<vmem>>
    %dma_wait3A_355 = tpu.memref_squeeze %dma_wait3A_354 : memref<1x128xi32, #tpu.memory_space<vmem>> -> memref<128xi32, #tpu.memory_space<vmem>>
    %dma_wait3A_356 = arith.constant 0 : i32
    %dma_wait3A_357 = arith.constant 0 : i32
    %dma_wait3A_358 = tpu.memref_slice %arg3[%dma_wait3A_356, %dma_wait3A_357] : memref<1000000x64xf32, #tpu.memory_space<hbm>> -> memref<1000000x64xf32, #tpu.memory_space<hbm>>
    tpu.wait_indirect_dma semaphore(%arg14 : memref<!tpu.dma_semaphore, #tpu.memory_space<semaphore_mem>>) src(%dma_wait3A_358 : memref<1000000x64xf32, #tpu.memory_space<hbm>>) dst(%dma_wait3A_352 : memref<128x64xf32, #tpu.memory_space<vmem>>)
    %add3A_359 = arith.constant 25472 : i32
    %add3A_360 = arith.addi %mul3A_4, %add3A_359 : i32
    %dma_start3A_361 = arith.constant 7 : i32
    %dma_start3A_362 = arith.constant 0 : i32
    %dma_start3A_363 = arith.constant 0 : i32
    %dma_start3A_364 = tpu.memref_slice %arg6[%dma_start3A_361, %dma_start3A_362, %dma_start3A_363] : memref<8x128x64xf32, #tpu.memory_space<vmem>> -> memref<1x128x64xf32, #tpu.memory_space<vmem>>
    %dma_start3A_365 = tpu.memref_squeeze %dma_start3A_364 : memref<1x128x64xf32, #tpu.memory_space<vmem>> -> memref<128x64xf32, #tpu.memory_space<vmem>>
    %dma_start3A_366 = arith.constant 0 : i32
    %dma_start3A_367 = tpu.memref_slice %arg4[%add3A_360, %dma_start3A_366] : memref<819200x64xf32, #tpu.memory_space<hbm>> -> memref<128x64xf32, #tpu.memory_space<hbm>>
    %dma_start3A_368 = arith.constant 0 : i32
    %dma_start3A_369 = tpu.memref_slice %arg4[%add3A_360, %dma_start3A_368] : memref<819200x64xf32, #tpu.memory_space<hbm>> -> memref<128x64xf32, #tpu.memory_space<hbm>>
    %dma_start3A_370 = arith.constant 0 : i32
    %dma_start3A_371 = arith.constant 0 : i32
    %dma_start3A_372 = tpu.memref_slice %arg6[%dma_start3A_361, %dma_start3A_370, %dma_start3A_371] : memref<8x128x64xf32, #tpu.memory_space<vmem>> -> memref<1x128x64xf32, #tpu.memory_space<vmem>>
    %dma_start3A_373 = tpu.memref_squeeze %dma_start3A_372 : memref<1x128x64xf32, #tpu.memory_space<vmem>> -> memref<128x64xf32, #tpu.memory_space<vmem>>
    tpu.enqueue_dma source(%dma_start3A_373 : memref<128x64xf32, #tpu.memory_space<vmem>>) target(%dma_start3A_369 : memref<128x64xf32, #tpu.memory_space<hbm>>) target_semaphore(%arg16 : memref<!tpu.dma_semaphore, #tpu.memory_space<semaphore_mem>>)
    %dma_wait3A_374 = arith.constant 4 : i32
    %dma_wait3A_375 = arith.constant 0 : i32
    %dma_wait3A_376 = arith.constant 0 : i32
    %dma_wait3A_377 = tpu.memref_slice %arg6[%dma_wait3A_374, %dma_wait3A_375, %dma_wait3A_376] : memref<8x128x64xf32, #tpu.memory_space<vmem>> -> memref<1x128x64xf32, #tpu.memory_space<vmem>>
    %dma_wait3A_378 = tpu.memref_squeeze %dma_wait3A_377 : memref<1x128x64xf32, #tpu.memory_space<vmem>> -> memref<128x64xf32, #tpu.memory_space<vmem>>
    %dma_wait3A_379 = arith.constant 0 : i32
    %dma_wait3A_380 = tpu.memref_slice %arg4[%mul3A_4, %dma_wait3A_379] : memref<819200x64xf32, #tpu.memory_space<hbm>> -> memref<128x64xf32, #tpu.memory_space<hbm>>
    %dma_wait3A_381 = arith.constant 0 : i32
    %dma_wait3A_382 = tpu.memref_slice %arg4[%mul3A_4, %dma_wait3A_381] : memref<819200x64xf32, #tpu.memory_space<hbm>> -> memref<128x64xf32, #tpu.memory_space<hbm>>
    %dma_wait3A_383 = arith.constant 0 : i32
    %dma_wait3A_384 = arith.constant 0 : i32
    %dma_wait3A_385 = tpu.memref_slice %arg6[%dma_wait3A_374, %dma_wait3A_383, %dma_wait3A_384] : memref<8x128x64xf32, #tpu.memory_space<vmem>> -> memref<1x128x64xf32, #tpu.memory_space<vmem>>
    %dma_wait3A_386 = tpu.memref_squeeze %dma_wait3A_385 : memref<1x128x64xf32, #tpu.memory_space<vmem>> -> memref<128x64xf32, #tpu.memory_space<vmem>>
    tpu.wait_dma2 semaphore(%arg16 : memref<!tpu.dma_semaphore, #tpu.memory_space<semaphore_mem>>) src(%dma_wait3A_386 : memref<128x64xf32, #tpu.memory_space<vmem>>) dst(%dma_wait3A_382 : memref<128x64xf32, #tpu.memory_space<hbm>>)
    %dma_wait3A_387 = arith.constant 5 : i32
    %dma_wait3A_388 = arith.constant 0 : i32
    %dma_wait3A_389 = arith.constant 0 : i32
    %dma_wait3A_390 = tpu.memref_slice %arg6[%dma_wait3A_387, %dma_wait3A_388, %dma_wait3A_389] : memref<8x128x64xf32, #tpu.memory_space<vmem>> -> memref<1x128x64xf32, #tpu.memory_space<vmem>>
    %dma_wait3A_391 = tpu.memref_squeeze %dma_wait3A_390 : memref<1x128x64xf32, #tpu.memory_space<vmem>> -> memref<128x64xf32, #tpu.memory_space<vmem>>
    %dma_wait3A_392 = arith.constant 0 : i32
    %dma_wait3A_393 = tpu.memref_slice %arg4[%mul3A_4, %dma_wait3A_392] : memref<819200x64xf32, #tpu.memory_space<hbm>> -> memref<128x64xf32, #tpu.memory_space<hbm>>
    %dma_wait3A_394 = arith.constant 0 : i32
    %dma_wait3A_395 = tpu.memref_slice %arg4[%mul3A_4, %dma_wait3A_394] : memref<819200x64xf32, #tpu.memory_space<hbm>> -> memref<128x64xf32, #tpu.memory_space<hbm>>
    %dma_wait3A_396 = arith.constant 0 : i32
    %dma_wait3A_397 = arith.constant 0 : i32
    %dma_wait3A_398 = tpu.memref_slice %arg6[%dma_wait3A_387, %dma_wait3A_396, %dma_wait3A_397] : memref<8x128x64xf32, #tpu.memory_space<vmem>> -> memref<1x128x64xf32, #tpu.memory_space<vmem>>
    %dma_wait3A_399 = tpu.memref_squeeze %dma_wait3A_398 : memref<1x128x64xf32, #tpu.memory_space<vmem>> -> memref<128x64xf32, #tpu.memory_space<vmem>>
    tpu.wait_dma2 semaphore(%arg16 : memref<!tpu.dma_semaphore, #tpu.memory_space<semaphore_mem>>) src(%dma_wait3A_399 : memref<128x64xf32, #tpu.memory_space<vmem>>) dst(%dma_wait3A_395 : memref<128x64xf32, #tpu.memory_space<hbm>>)
    %dma_wait3A_400 = arith.constant 6 : i32
    %dma_wait3A_401 = arith.constant 0 : i32
    %dma_wait3A_402 = arith.constant 0 : i32
    %dma_wait3A_403 = tpu.memref_slice %arg6[%dma_wait3A_400, %dma_wait3A_401, %dma_wait3A_402] : memref<8x128x64xf32, #tpu.memory_space<vmem>> -> memref<1x128x64xf32, #tpu.memory_space<vmem>>
    %dma_wait3A_404 = tpu.memref_squeeze %dma_wait3A_403 : memref<1x128x64xf32, #tpu.memory_space<vmem>> -> memref<128x64xf32, #tpu.memory_space<vmem>>
    %dma_wait3A_405 = arith.constant 0 : i32
    %dma_wait3A_406 = tpu.memref_slice %arg4[%mul3A_4, %dma_wait3A_405] : memref<819200x64xf32, #tpu.memory_space<hbm>> -> memref<128x64xf32, #tpu.memory_space<hbm>>
    %dma_wait3A_407 = arith.constant 0 : i32
    %dma_wait3A_408 = tpu.memref_slice %arg4[%mul3A_4, %dma_wait3A_407] : memref<819200x64xf32, #tpu.memory_space<hbm>> -> memref<128x64xf32, #tpu.memory_space<hbm>>
    %dma_wait3A_409 = arith.constant 0 : i32
    %dma_wait3A_410 = arith.constant 0 : i32
    %dma_wait3A_411 = tpu.memref_slice %arg6[%dma_wait3A_400, %dma_wait3A_409, %dma_wait3A_410] : memref<8x128x64xf32, #tpu.memory_space<vmem>> -> memref<1x128x64xf32, #tpu.memory_space<vmem>>
    %dma_wait3A_412 = tpu.memref_squeeze %dma_wait3A_411 : memref<1x128x64xf32, #tpu.memory_space<vmem>> -> memref<128x64xf32, #tpu.memory_space<vmem>>
    tpu.wait_dma2 semaphore(%arg16 : memref<!tpu.dma_semaphore, #tpu.memory_space<semaphore_mem>>) src(%dma_wait3A_412 : memref<128x64xf32, #tpu.memory_space<vmem>>) dst(%dma_wait3A_408 : memref<128x64xf32, #tpu.memory_space<hbm>>)
    %dma_wait3A_413 = arith.constant 7 : i32
    %dma_wait3A_414 = arith.constant 0 : i32
    %dma_wait3A_415 = arith.constant 0 : i32
    %dma_wait3A_416 = tpu.memref_slice %arg6[%dma_wait3A_413, %dma_wait3A_414, %dma_wait3A_415] : memref<8x128x64xf32, #tpu.memory_space<vmem>> -> memref<1x128x64xf32, #tpu.memory_space<vmem>>
    %dma_wait3A_417 = tpu.memref_squeeze %dma_wait3A_416 : memref<1x128x64xf32, #tpu.memory_space<vmem>> -> memref<128x64xf32, #tpu.memory_space<vmem>>
    %dma_wait3A_418 = arith.constant 0 : i32
    %dma_wait3A_419 = tpu.memref_slice %arg4[%mul3A_4, %dma_wait3A_418] : memref<819200x64xf32, #tpu.memory_space<hbm>> -> memref<128x64xf32, #tpu.memory_space<hbm>>
    %dma_wait3A_420 = arith.constant 0 : i32
    %dma_wait3A_421 = tpu.memref_slice %arg4[%mul3A_4, %dma_wait3A_420] : memref<819200x64xf32, #tpu.memory_space<hbm>> -> memref<128x64xf32, #tpu.memory_space<hbm>>
    %dma_wait3A_422 = arith.constant 0 : i32
    %dma_wait3A_423 = arith.constant 0 : i32
    %dma_wait3A_424 = tpu.memref_slice %arg6[%dma_wait3A_413, %dma_wait3A_422, %dma_wait3A_423] : memref<8x128x64xf32, #tpu.memory_space<vmem>> -> memref<1x128x64xf32, #tpu.memory_space<vmem>>
    %dma_wait3A_425 = tpu.memref_squeeze %dma_wait3A_424 : memref<1x128x64xf32, #tpu.memory_space<vmem>> -> memref<128x64xf32, #tpu.memory_space<vmem>>
    tpu.wait_dma2 semaphore(%arg16 : memref<!tpu.dma_semaphore, #tpu.memory_space<semaphore_mem>>) src(%dma_wait3A_425 : memref<128x64xf32, #tpu.memory_space<vmem>>) dst(%dma_wait3A_421 : memref<128x64xf32, #tpu.memory_space<hbm>>)
    return
  }
}

</mosaic_0001>

<sc_bundles>
// kernel: _embedding_lookup.3.cloned.1.call-start
scs
__scs_entry_jumppad:
0x0: {  	(pc) =	sbr.rel $0x88, $3  }
0x1: {  	(tag) =	ssettag $0x0;
	lr =	simm.s32 $0x1  }
0x2: {  	[smem:$0x3F9F] =	sst lr;
	_ =	strace $0xD0000000  }
0x3: {  	_ = 	snop  }
0x4: {  	_ = 	snop  }
0x5: {  	_ = 	snop  }
0x6: {  	_ = 	snop  }
0x7: {  	_ = 	snop  }
__scs_overlays_trampoline_lowered:
0x8: {  	[smem:$0x3FAE] =	sst s0  }
0x9: {  	[smem:$0x3FAF] =	sst s1  }
0xa: {  	[smem:$0x3FB0] =	sst s2  }
0xb: {  	[smem:$0x3FB1] =	sst s3  }
0xc: {  	[smem:$0x3FB2] =	sst s4  }
0xd: {  	[smem:$0x3FB3] =	sst s5  }
0xe: {  	[smem:$0x3FB4] =	sst s6  }
0xf: {  	[smem:$0x3FB5] =	sst s7  }
0x10: {  	[smem:$0x3FB6] =	sst s8  }
0x11: {  	[smem:$0x3FB7] =	sst s9;
	s0 =	simm.s32 @!p0 $0x0  }
0x12: {  	s1 =	sld [smem:$0x3F9D];
	s0 =	simm.s32 @p0 $0x1  }
0x13: {  	[smem:$0x3FB8] =	sst s0;
	s0 =	simm.s32 @!p1 $0x0  }
0x14: {  	s2 =	sld [smem:$0x3F9C];
	s0 =	simm.s32 @p1 $0x1  }
0x15: {  	[smem:$0x3FB9] =	sst s0;
	s0 =	simm.s32 @!p2 $0x0  }
0x16: {  	s3 =	sld [smem:$0x3FDB];
	s0 =	simm.s32 @p2 $0x1  }
0x17: {  	s4 =	simm.s32 $0x1BF5;
	[smem:$0x3FBB] =	sst s0  }
0x18: {  	s0 =	sld [smem:$0x3F9E];
	_ =	swait.ge [sflag:s4], $0x0  }
0x19: {  	s7 =	sld [smem:$0x3F9F]  }
0x1a: {  	s8 =	sadd.s32 $0xFFFFE003, lr  }
0x1b: {  	s9 =	sadd.s32 $0xFFFFFEF7, lr;
	s5 =	simm.s32 $0xFFFFFFFF;
	p2 =	slt.u32 s8, $0xFFFFF086  }
0x1c: {  	p1 =	slt.u32 s9, $0xF7A;
	s5 =	simm.s32 @!p2 $0x0  }
0x1d: {  	s5 =	simm.s32 @p1 $0x1;
	p0 =	seq.s32 s7, s2  }
0x1e: {  	s7 =	smul.u32 @!p0 $0xF7A, s2;
	p2 =	seq.s32 @!p0 s5, $0x0  }
0x1f: {  	s9 =	smul.u32 $0xF7A, s1;
	s8 =	simm.s32 @!p0 $0x1BF5;
	p2 =	por !p2, p0  }
0x20: {  	[sflag:s8] =	ssyncset.s32 @!p0 $0xFFFFF086;
	s6 =	sadd.s32 @!p0 s3, s7;
	s7 =	simm.s32 @!p0 $0x108  }
0x21: {  	s3 =	sadd.s32 s3, s9;
	s6 =	sadd.s32 @!p0 $0x88, s6;
	s7 =	simm.s32 @p2 $0x1082  }
0x22: {  	[simem:s7], [sflag:s8] =	dma.local @!p0 [hbm:s6], $0xF7A  }
0x23: {  	s9 =	sor.u32 $0xD0000000, s2;
	s6 =	simm.s32 $0x108;
	_ =	swait.ge @!p0 [sflag:s8], $0x0  }
0x24: {  	s3 =	sadd.s32 $0x88, s3;
	s6 =	simm.s32 @!p1 $0x1082;
	[sflag:s4] =	ssyncset.s32 $0xFFFFF086  }
0x25: {  	[simem:s6], [sflag:s4] =	dma.local [hbm:s3], $0xF7A  }
0x26: {  	[smem:$0x3F9F] =	sst s1;
	(tag) =	ssettag s2;
	_ =	strace s9  }
0x27: {  	s1 =	sld [smem:$0x3FAF]  }
0x28: {  	s2 =	sld [smem:$0x3FB0]  }
0x29: {  	s4 =	sld [smem:$0x3FB2]  }
0x2a: {  	p0 =	seq.s32 s5, $0x0;
	s5 =	sld [smem:$0x3FB3]  }
0x2b: {  	s6 =	sld [smem:$0x3FB4]  }
0x2c: {  	s7 =	sld [smem:$0x3FB5]  }
0x2d: {  	s3 =	simm.s32 $0x108;
	s8 =	sld [smem:$0x3FB6]  }
0x2e: {  	s3 =	simm.s32 @!p0 $0x1082;
	s9 =	sld [smem:$0x3FB7]  }
0x2f: {  	lr =	sadd.s32 s0, s3;
	s0 =	sld [smem:$0x3FAE]  }
0x30: {  	s3 =	sld [smem:$0x3FB1]  }
0x31: {  	[smem:$0x3FBA] =	sst s10  }
0x32: {  	s10 =	sld [smem:$0x3FB8];
	_ =	sdelay $0x3  }
0x33: {  	p0 =	seq.s32 s10, $0x1;
	s10 =	sld [smem:$0x3FBA];
	_ =	sdelay $0x3  }
0x34: {  	[smem:$0x3FBA] =	sst s10  }
0x35: {  	s10 =	sld [smem:$0x3FB9];
	_ =	sdelay $0x3  }
0x36: {  	p1 =	seq.s32 s10, $0x1;
	s10 =	sld [smem:$0x3FBA];
	_ =	sdelay $0x3  }
0x37: {  	[smem:$0x3FBA] =	sst s10  }
0x38: {  	s10 =	sld [smem:$0x3FBB]  }
0x39: {  	_ = 	snop;
	(pc) =	sbr.ind lr, $3  }
0x3a: {  	_ = 	snop  }
0x3b: {  	_ = 	snop  }
0x3c: {  	p2 =	seq.s32 s10, $0x1;
	s10 =	sld [smem:$0x3FBA]  }
0x3d: {  	_ =	shalt  }
0x3e: {  	_ =	shalt  }
0x3f: {  	_ =	shalt  }
0x40: {  	_ =	shalt  }
0x41: {  	_ =	shalt  }
0x42: {  	_ =	shalt  }
0x43: {  	_ =	shalt  }
0x44: {  	_ =	shalt  }
0x45: {  	_ =	shalt  }
0x46: {  	_ =	shalt  }
0x47: {  	_ =	shalt  }
0x48: {  	_ =	shalt  }
0x49: {  	_ =	shalt  }
0x4a: {  	_ =	shalt  }
0x4b: {  	_ =	shalt  }
0x4c: {  	_ =	shalt  }
0x4d: {  	_ =	shalt  }
0x4e: {  	_ =	shalt  }
0x4f: {  	_ =	shalt  }
0x50: {  	_ =	shalt  }
0x51: {  	_ =	shalt  }
0x52: {  	_ =	shalt  }
0x53: {  	_ =	shalt  }
0x54: {  	_ =	shalt  }
0x55: {  	_ =	shalt  }
0x56: {  	_ =	shalt  }
0x57: {  	_ =	shalt  }
0x58: {  	_ =	shalt  }
0x59: {  	_ =	shalt  }
0x5a: {  	_ =	shalt  }
0x5b: {  	_ =	shalt  }
0x5c: {  	_ =	shalt  }
0x5d: {  	_ =	shalt  }
0x5e: {  	_ =	shalt  }
0x5f: {  	_ =	shalt  }
0x60: {  	_ =	shalt  }
0x61: {  	_ =	shalt  }
0x62: {  	_ =	shalt  }
0x63: {  	_ =	shalt  }
0x64: {  	_ =	shalt  }
0x65: {  	_ =	shalt  }
0x66: {  	_ =	shalt  }
0x67: {  	_ =	shalt  }
0x68: {  	_ =	shalt  }
0x69: {  	_ =	shalt  }
0x6a: {  	_ =	shalt  }
0x6b: {  	_ =	shalt  }
0x6c: {  	_ =	shalt  }
0x6d: {  	_ =	shalt  }
0x6e: {  	_ =	shalt  }
0x6f: {  	_ =	shalt  }
0x70: {  	_ =	shalt  }
0x71: {  	_ =	shalt  }
0x72: {  	_ =	shalt  }
0x73: {  	_ =	shalt  }
0x74: {  	_ =	shalt  }
0x75: {  	_ =	shalt  }
0x76: {  	_ =	shalt  }
0x77: {  	_ =	shalt  }
0x78: {  	_ =	shalt  }
0x79: {  	_ =	shalt  }
0x7a: {  	_ =	shalt  }
0x7b: {  	_ =	shalt  }
0x7c: {  	_ =	shalt  }
0x7d: {  	_ =	shalt  }
0x7e: {  	_ =	shalt  }
0x7f: {  	_ =	shalt  }
0x80: {  	_ =	shalt  }
0x81: {  	_ =	shalt  }
0x82: {  	_ =	shalt  }
0x83: {  	_ =	shalt  }
0x84: {  	_ =	shalt  }
0x85: {  	_ =	shalt  }
0x86: {  	_ =	shalt  }
0x87: {  	_ =	shalt  }
.Lfunc_end0:
.L_simem_size_0:
called_computation.1_lowered:
.L_overlay_start_0:
0x88: {  	s2 =	sld [smem:$0x3FD9]  }
0x89: {  	s3 =	sld [smem:$0x3FFE];
	_ =	sdelay $0x1  }
0x8a: {  	s1 =	srdreg.scid  }
0x8b: {  	s0 =	sand.u32 $0x1, s1  }
0x8c: {  	s17 =	sshll.u32 s0, $0xA;
	s2 =	sadd.s32 s3, s2  }
0x8d: {  	s2 =	sadd.s32 s2, s17  }
0x8e: {  	[smem:$0x3FC6] =	sst s2  }
0x8f: {  	_ = 	snop  }
0x90: {  	s2 =	sld [smem:$0x3FD0];
	(tm) =	ssettm $0x1  }
0x91: {  	s18 =	sld [smem:$0x3FFB];
	_ =	sdelay $0x3  }
0x92: {  	_ =	strace s18  }
0x93: {  	s3 =	sld [smem:$0x3FFC];
	_ =	sdelay $0x3  }
0x94: {  	_ =	strace s3  }
0x95: {  	s3 =	sld [smem:$0x3FFD];
	_ =	sdelay $0x3  }
0x96: {  	_ =	strace s3  }
0x97: {  	_ =	strace $0x8FFFFFFF  }
0x98: {  	s19 =	sld [smem:$0x3FDB];
	_ =	sdelay $0x1  }
0x99: {  	s4 =	simm.s32 $_scs_section_size  }
0x9a: {  	s5 =	simm.s32 $_size__tile_overlayer_lowered;
	s6 =	simm.s32 $_tile_overlayer_lowered  }
0x9b: {  	s22 =	simm.s32 $0x1BFF;
	s21 =	sshll.u32 s6, $0x1;
	s3 =	sadd.s32 s4, s19  }
0x9c: {  	s7 =	simm.s32 $0x0;
	s20 =	sshll.u32 s5, $0x1;
	s5 =	sadd.s32 s21, s3  }
0x9d: {  	[timem:s7], [sflag:s22] =	dma.local [hbm:s5], s20  }
0x9e: {  	_ =	swait.ge [sflag:s22], s20  }
0x9f: {  	s4 =	ssub.s32 $0x0, s20;
	[sflag:s22] =	ssyncset.done $0x0  }
0xa0: {  	[sflag:s22] =	ssyncadd.s32 s4;
	_ =	sdelay $0x1  }
0xa1: {  	s23 =	simm.s32 $0x1B8B  }
0xa2: {  	_ =	swait.ge [sflag:s23], $0x1  }
0xa3: {  	[sflag:s23] =	ssyncset.done $0x0  }
0xa4: {  	s25 =	simm.s32 $0x1B8E;
	s24 =	sld [smem:$0x3FFE];
	[sflag:s23] =	ssyncadd.s32 $0xFFFFFFFF  }
0xa5: {  	s26 =	simm.s32 $execute0_lowered;
	[smem:$0x3FD2] =	sst s25  }
0xa6: {  	s5 =	sshll.u32 s26, $0x1;
	_ =	strace $0x80000046;
	[dreg:$0x1] =	wrdreg $0xFFFFFFFF  }
0xa7: {  	s28 =	simm.s32 $_size_execute0_lowered;
	s3 =	sadd.s32 s3, s5;
	[dreg:$0x0] =	wrdreg $0x0  }
0xa8: {  	s5 =	sshll.u32 s28, $0x1;
	[dreg:$0x2] =	wrdreg s3  }
0xa9: {  	[dreg:$0x3] =	wrdreg s5  }
0xaa: {  	[dreg:$0x4] =	wrdreg $0xC0  }
0xab: {  	_ =	task [dreg:s7], $0x5FFFF  }
0xac: {  	[dreg:$0x1] =	wrdreg $0xFFFFFFFF  }
0xad: {  	[dreg:$0x0] =	wrdreg $0x60  }
0xae: {  	[dreg:$0x2] =	wrdreg s24  }
0xaf: {  	[dreg:$0x3] =	wrdreg s2  }
0xb0: {  	[dreg:$0x4] =	wrdreg $0x9  }
0xb1: {  	_ =	task.clear_ibuf [dreg:s7], $0x5FFFF;
	_ =	strace $0x90000046  }
0xb2: {  	s29 =	simm.s32 $0x9;
	_ =	strace $0x80000048  }
0xb3: {  	_ =	swait.ge [sflag:s29], $0x1  }
0xb4: {  	[sflag:s29] =	ssyncadd.s32 $0xFFFFFFFF  }
0xb5: {  	_ =	strace $0x90000048  }
0xb6: {  	_ =	sfence  }
0xb7: {  	s30 =	sld [smem:$0x0];
	_ =	sdelay $0x2  }
0xb8: {  	s31 =	sshll.u32 s1, $0xD;
	s1 =	sshrl.u32 s1, $0x2  }
0xb9: {  	s3 =	sand.u32 $0x4000, s31;
	s1 =	sadd.s32 s1, s30  }
0xba: {  	s0 =	sor.u32 s3, s0;
	s1 =	sshll.u32 s1, $0x11  }
0xbb: {  	s0 =	sor.u32 s1, s0  }
0xbc: {  	s0 =	sadd.s32 $0x8F2B, s0  }
0xbd: {  	[sflag:s0] =	ssyncadd.remote.s32 $0x1  }
0xbe: {  	_ =	sfence.sel $0xFFFF  }
0xbf: {  	[dreg:$0x0] =	wrdreg $0xFFFFFFFF;
	(pc) =	sbr.abs _section_cstart, $3  }
0xc0: {  	[dreg:$0x1] =	wrdreg $0xFFFFFFFF  }
0xc1: {  	_ =	task.clear_ibuf [dreg:s7], $0x2FFFF;
	_ =	strace $0x9FFFFFFF  }
0xc2: {  	(tm) =	ssettm $0x7FFFFFFF  }
0xc3: {  	_ =	shalt  }
tec
execute0_lowered:
.L_overlay_start_1:
0x0: {  	(tag) =	ssettag $0x1  }
0x1: {  	s0 =	srdreg.scid  }
0x2: {  	s12 =	stileid.u32;
	s1 =	rddreg [dreg:$0x0]  }
0x3: {  	s4 =	rddreg [dreg:$0x1];
	s10 =	smul.u32 $0x320000, s12  }
0x4: {  	s29 =	simm.s32 $0x12400;
	s0 =	sand.u32 $0x1, s0;
	s13 =	smul.u32 $0xC800, s12  }
0x5: {  	s31 =	simm.s32 $0x14400;
	s2 =	sshll.u32 s12, $0x1;
	s11 =	smul.u32 $0x190000, s0  }
0x6: {  	s3 =	sor.u32 s0, s2;
	s9 =	ssub.s32 $0x2, s0;
	s0 =	smul.u32 $0x6400, s0  }
0x7: {  	s28 =	simm.s32 $0x5;
	s30 =	simm.s32 $0x6;
	s5 =	smul.u32 $0x6400, s3  }
0x8: {  	s8 =	sadd.s32 $0xA00, s1;
	s2 =	simm.s32 $0x0;
	s6 =	smul.u32 $0xC80, s3  }
0x9: {  	[smem:$0x7FF] =	sst s2;
	s7 =	smul.u32 $0x190000, s3;
	s26 =	sshrl.u32 s9, $0x1  }
0xa: {  	s3 =	sadd.s32 $0xF42E00, s1;
	_ =	strace $0x80000047;
	s1 =	ssub.s32 s9, s26  }
0xb: {  	s16 =	sadd.s32 s11, s10;
	s0 =	sadd.s32 s0, s13;
	s5 =	sshrl.u32 s5, $0x3  }
0xc: {  	s7 =	sshrl.u32 s7, $0x3;
	s6 =	sadd.s32 s8, s6;
	s5 =	sadd.s32 s8, s5  }
0xd: {  	[dreg:$0xb] =	wrdreg s6;
	s14 =	sadd.s32 s4, s7;
	s5 =	sadd.s32 $0x80, s5  }
0xe: {  	s17 =	sshrl.u32 s16, $0x3;
	s15 =	sadd.s32 $0x30000, s14;
	[dreg:$0xc] =	wrdreg s5  }
0xf: {  	s0 =	sshll.u32 s0, $0x3;
	s7 =	sadd.s32 $0x30400, s14;
	[dreg:$0xd] =	wrdreg s15  }
0x10: {  	s0 =	sadd.s32 s0, s4;
	s18 =	sadd.s32 $0x30800, s14;
	[dreg:$0xe] =	wrdreg s7  }
0x11: {  	s6 =	sor.u32 $0x8000, s16;
	s19 =	sadd.s32 $0x30C00, s14;
	[dreg:$0xf] =	wrdreg s18  }
0x12: {  	s16 =	simm.s32 $0x80;
	s20 =	sadd.s32 $0xC00, s0;
	[dreg:$0x10] =	wrdreg s19  }
0x13: {  	s21 =	sadd.s32 $0x800, s0;
	s22 =	sadd.s32 $0x400, s0;
	[dreg:$0x4] =	wrdreg s20  }
0x14: {  	s6 =	sshrl.u32 s6, $0x3;
	s23 =	sadd.s32 $0x31000, s14;
	[dreg:$0x5] =	wrdreg s21  }
0x15: {  	s24 =	sadd.s32 $0x31400, s14;
	s25 =	sadd.s32 $0x1C00, s0;
	[dreg:$0x11] =	wrdreg s23  }
0x16: {  	s12 =	sadd.s32 $0x31800, s14;
	s26 =	sadd.s32 $0x1800, s0;
	[dreg:$0x6] =	wrdreg s22  }
0x17: {  	s13 =	sadd.s32 $0x31C00, s14;
	s0 =	sadd.s32 $0x1400, s0;
	[dreg:$0x12] =	wrdreg s24  }
0x18: {  	s14 =	smax.u32 s1, $0x1;
	s1 =	simm.s32 $0x7;
	[dreg:$0x8] =	wrdreg s25  }
0x19: {  	s7 =	sadd.s32 s17, s4;
	s4 =	sadd.s32 s6, s4;
	[dreg:$0x9] =	wrdreg s26  }
0x1a: {  	[dreg:$0xa] =	wrdreg s0;
	s15 =	simm.s32 $0xB;
	s17 =	simm.s32 $0x6400  }
0x1b: {  	s18 =	simm.s32 $0x8400;
	s20 =	simm.s32 $0xA400;
	s22 =	simm.s32 $0xC400  }
0x1c: {  	s24 =	simm.s32 $0xE400;
	s26 =	simm.s32 $0x10400;
	s0 =	simm.s32 $0x1  }
0x1d: {  	s19 =	simm.s32 $0x2;
	s21 =	simm.s32 $0x3;
	s23 =	simm.s32 $0x4  }
0x1e: {  	s25 =	simm.s32 $0x9;
	s5 =	simm.s32 $0xA;
	[dreg:$0x3] =	wrdreg s7  }
0x1f: {  	s6 =	simm.s32 $0x0;
	[dreg:$0x7] =	wrdreg s4;
	s4 =	simm.s32 $0x8  }
.LBB2_1:
0x20: {  	s7 =	rddreg [dreg:$0xb]  }
0x21: {  	[tilespmem:s2], [sflag:$0xB] =	stream.linear.gather [hbm4b:s7+s2], $0x400, $0x38;
	[tilespmem:$0x16400] =	vst v63  }
0x22: {  	_ =	swait.ge [sflag:s15], $0x400  }
0x23: {  	[sflag:s15] =	ssyncset.done $0x0  }
0x24: {  	[sflag:s15] =	ssyncadd.s32 $0xFFFFFC00  }
0x25: {  	[tilespmem:s17], [sflag:$0x1] =	stream.indirect.gather [hbm4b:s3+s16], $0x40, s2, s16, $0xb8;
	[tilespmem:$0x16400] =	vst v63  }
0x26: {  	_ = 	snop  }
0x27: {  	[tilespmem:s18], [sflag:$0x2] =	stream.indirect.gather [hbm4b:s3+s16], $0x40, s16, s16, $0xb8;
	[tilespmem:$0x16400] =	vst v63  }
0x28: {  	s9 =	simm.s32 $0x100  }
0x29: {  	[tilespmem:s20], [sflag:$0x3] =	stream.indirect.gather [hbm4b:s3+s16], $0x40, s9, s16, $0xb8;
	[tilespmem:$0x16400] =	vst v63  }
0x2a: {  	s10 =	simm.s32 $0x180  }
0x2b: {  	[tilespmem:s22], [sflag:$0x4] =	stream.indirect.gather [hbm4b:s3+s16], $0x40, s10, s16, $0xb8;
	[tilespmem:$0x16400] =	vst v63  }
0x2c: {  	s11 =	simm.s32 $0x200  }
0x2d: {  	[tilespmem:s24], [sflag:$0x5] =	stream.indirect.gather [hbm4b:s3+s16], $0x40, s11, s16, $0xb8;
	[tilespmem:$0x16400] =	vst v63  }
0x2e: {  	s8 =	simm.s32 $0x280  }
0x2f: {  	[tilespmem:s26], [sflag:$0x6] =	stream.indirect.gather [hbm4b:s3+s16], $0x40, s8, s16, $0xb8;
	[tilespmem:$0x16400] =	vst v63  }
0x30: {  	s9 =	simm.s32 $0x300  }
0x31: {  	[tilespmem:s29], [sflag:$0x7] =	stream.indirect.gather [hbm4b:s3+s16], $0x40, s9, s16, $0xb8;
	[tilespmem:$0x16400] =	vst v63  }
0x32: {  	s10 =	simm.s32 $0x380  }
0x33: {  	[tilespmem:s31], [sflag:$0x8] =	stream.indirect.gather [hbm4b:s3+s16], $0x40, s10, s16, $0xb8;
	[tilespmem:$0x16400] =	vst v63  }
0x34: {  	s11 =	rddreg [dreg:$0xc];
	s8 =	simm.s32 $0x400  }
0x35: {  	[tilespmem:s8], [sflag:$0xB] =	stream.linear.gather [hbm4b:s11+s2], $0x6000, $0x38;
	[tilespmem:$0x16400] =	vst v63  }
0x36: {  	_ =	swait.ge [sflag:s15], $0x6000  }
0x37: {  	[sflag:s15] =	ssyncset.done $0x0  }
0x38: {  	[sflag:s15] =	ssyncadd.s32 $0xFFFFA000  }
0x39: {  	_ =	swait.ge [sflag:s0], $0x2000  }
0x3a: {  	s9 =	rddreg [dreg:$0x3];
	[sflag:s0] =	ssyncset.done $0x0  }
0x3b: {  	[sflag:s0] =	ssyncadd.s32 $0xFFFFE000;
	s7 =	sadd.s32 $0x0, s9  }
0x3c: {  	[hbm4b:s7+s2] =	stream.linear.scatter [tilespmem:s17], [sflag:$0x9], $0x2000, $0x38;
	[tilespmem:$0x16400] =	vst v63  }
0x3d: {  	_ =	swait.ge [sflag:s19], $0x2000  }
0x3e: {  	s10 =	rddreg [dreg:$0x6];
	[sflag:s19] =	ssyncset.done $0x0  }
0x3f: {  	[sflag:s19] =	ssyncadd.s32 $0xFFFFE000;
	s7 =	sadd.s32 $0x0, s10  }
0x40: {  	[hbm4b:s7+s2] =	stream.linear.scatter [tilespmem:s18], [sflag:$0x9], $0x2000, $0x38;
	[tilespmem:$0x16400] =	vst v63  }
0x41: {  	_ =	swait.ge [sflag:s21], $0x2000  }
0x42: {  	s11 =	rddreg [dreg:$0x5];
	[sflag:s21] =	ssyncset.done $0x0  }
0x43: {  	[sflag:s21] =	ssyncadd.s32 $0xFFFFE000;
	s7 =	sadd.s32 $0x0, s11  }
0x44: {  	[hbm4b:s7+s2] =	stream.linear.scatter [tilespmem:s20], [sflag:$0x9], $0x2000, $0x38;
	[tilespmem:$0x16400] =	vst v63  }
0x45: {  	_ =	swait.ge [sflag:s23], $0x2000  }
0x46: {  	s8 =	rddreg [dreg:$0x4];
	[sflag:s23] =	ssyncset.done $0x0  }
0x47: {  	[sflag:s23] =	ssyncadd.s32 $0xFFFFE000;
	s7 =	sadd.s32 $0x0, s8  }
0x48: {  	[hbm4b:s7+s2] =	stream.linear.scatter [tilespmem:s22], [sflag:$0x9], $0x2000, $0x38;
	[tilespmem:$0x16400] =	vst v63  }
0x49: {  	_ =	swait.ge [sflag:s25], $0x2000  }
0x4a: {  	[sflag:s25] =	ssyncset.done $0x0  }
0x4b: {  	[sflag:s25] =	ssyncadd.s32 $0xFFFFE000  }
0x4c: {  	_ =	swait.ge [sflag:s25], $0x2000  }
0x4d: {  	[sflag:s25] =	ssyncset.done $0x0  }
0x4e: {  	[sflag:s25] =	ssyncadd.s32 $0xFFFFE000  }
0x4f: {  	_ =	swait.ge [sflag:s25], $0x2000  }
0x50: {  	[sflag:s25] =	ssyncset.done $0x0  }
0x51: {  	[sflag:s25] =	ssyncadd.s32 $0xFFFFE000  }
0x52: {  	_ =	swait.ge [sflag:s25], $0x2000  }
0x53: {  	[sflag:s25] =	ssyncset.done $0x0  }
0x54: {  	s9 =	simm.s32 $0x400;
	[sflag:s25] =	ssyncadd.s32 $0xFFFFE000  }
0x55: {  	[tilespmem:s17], [sflag:$0x1] =	stream.indirect.gather [hbm4b:s3+s16], $0x40, s9, s16, $0xb8;
	[tilespmem:$0x16400] =	vst v63  }
0x56: {  	s10 =	simm.s32 $0x480  }
0x57: {  	[tilespmem:s18], [sflag:$0x2] =	stream.indirect.gather [hbm4b:s3+s16], $0x40, s10, s16, $0xb8;
	[tilespmem:$0x16400] =	vst v63  }
0x58: {  	s11 =	simm.s32 $0x500  }
0x59: {  	[tilespmem:s20], [sflag:$0x3] =	stream.indirect.gather [hbm4b:s3+s16], $0x40, s11, s16, $0xb8;
	[tilespmem:$0x16400] =	vst v63  }
0x5a: {  	s8 =	simm.s32 $0x580  }
0x5b: {  	[tilespmem:s22], [sflag:$0x4] =	stream.indirect.gather [hbm4b:s3+s16], $0x40, s8, s16, $0xb8;
	[tilespmem:$0x16400] =	vst v63  }
0x5c: {  	_ =	swait.ge [sflag:s28], $0x2000  }
0x5d: {  	s9 =	rddreg [dreg:$0x7];
	[sflag:s28] =	ssyncset.done $0x0  }
0x5e: {  	[sflag:s28] =	ssyncadd.s32 $0xFFFFE000;
	s7 =	sadd.s32 $0x0, s9  }
0x5f: {  	[hbm4b:s7+s2] =	stream.linear.scatter [tilespmem:s24], [sflag:$0xA], $0x2000, $0x38;
	[tilespmem:$0x16400] =	vst v63  }
0x60: {  	_ =	swait.ge [sflag:s30], $0x2000  }
0x61: {  	s10 =	rddreg [dreg:$0xa];
	[sflag:s30] =	ssyncset.done $0x0  }
0x62: {  	[sflag:s30] =	ssyncadd.s32 $0xFFFFE000;
	s7 =	sadd.s32 $0x0, s10  }
0x63: {  	[hbm4b:s7+s2] =	stream.linear.scatter [tilespmem:s26], [sflag:$0xA], $0x2000, $0x38;
	[tilespmem:$0x16400] =	vst v63  }
0x64: {  	_ =	swait.ge [sflag:s1], $0x2000  }
0x65: {  	s11 =	rddreg [dreg:$0x9];
	[sflag:s1] =	ssyncset.done $0x0  }
0x66: {  	[sflag:s1] =	ssyncadd.s32 $0xFFFFE000;
	s7 =	sadd.s32 $0x0, s11  }
0x67: {  	[hbm4b:s7+s2] =	stream.linear.scatter [tilespmem:s29], [sflag:$0xA], $0x2000, $0x38;
	[tilespmem:$0x16400] =	vst v63  }
0x68: {  	_ =	swait.ge [sflag:s4], $0x2000  }
0x69: {  	s8 =	rddreg [dreg:$0x8];
	[sflag:s4] =	ssyncset.done $0x0  }
0x6a: {  	[sflag:s4] =	ssyncadd.s32 $0xFFFFE000;
	s7 =	sadd.s32 $0x0, s8  }
0x6b: {  	[hbm4b:s7+s2] =	stream.linear.scatter [tilespmem:s31], [sflag:$0xA], $0x2000, $0x38;
	[tilespmem:$0x16400] =	vst v63  }
0x6c: {  	_ =	swait.ge [sflag:s5], $0x2000  }
0x6d: {  	[sflag:s5] =	ssyncset.done $0x0  }
0x6e: {  	[sflag:s5] =	ssyncadd.s32 $0xFFFFE000  }
0x6f: {  	_ =	swait.ge [sflag:s5], $0x2000  }
0x70: {  	[sflag:s5] =	ssyncset.done $0x0  }
0x71: {  	[sflag:s5] =	ssyncadd.s32 $0xFFFFE000  }
0x72: {  	_ =	swait.ge [sflag:s5], $0x2000  }
0x73: {  	[sflag:s5] =	ssyncset.done $0x0  }
0x74: {  	[sflag:s5] =	ssyncadd.s32 $0xFFFFE000  }
0x75: {  	_ =	swait.ge [sflag:s5], $0x2000  }
0x76: {  	[sflag:s5] =	ssyncset.done $0x0  }
0x77: {  	s9 =	simm.s32 $0x600;
	[sflag:s5] =	ssyncadd.s32 $0xFFFFE000  }
0x78: {  	[tilespmem:s24], [sflag:$0x5] =	stream.indirect.gather [hbm4b:s3+s16], $0x40, s9, s16, $0xb8;
	[tilespmem:$0x16400] =	vst v63  }
0x79: {  	s10 =	simm.s32 $0x680;
	s11 =	simm.s32 $0x700  }
0x7a: {  	[tilespmem:s26], [sflag:$0x6] =	stream.indirect.gather [hbm4b:s3+s16], $0x40, s10, s16, $0xb8;
	[tilespmem:$0x16400] =	vst v63  }
0x7b: {  	s8 =	simm.s32 $0x2000;
	s7 =	simm.s32 $0x780;
	s9 =	simm.s32 $0xB80  }
0x7c: {  	[tilespmem:s29], [sflag:$0x7] =	stream.indirect.gather [hbm4b:s3+s16], $0x40, s11, s16, $0xb8;
	[tilespmem:$0x16400] =	vst v63  }
.LBB2_2:
0x7d: {  	[tilespmem:s31], [sflag:$0x8] =	stream.indirect.gather [hbm4b:s3+s16], $0x40, s7, s16, $0xb8;
	[tilespmem:$0x16400] =	vst v63  }
0x7e: {  	_ =	swait.ge [sflag:s0], $0x2000  }
0x7f: {  	s10 =	smov.u32 s8;
	s11 =	rddreg [dreg:$0x3];
	[sflag:s0] =	ssyncset.done $0x0  }
0x80: {  	[sflag:s0] =	ssyncadd.s32 $0xFFFFE000;
	s11 =	sadd.s32 s10, s11  }
0x81: {  	[hbm4b:s11+s2] =	stream.linear.scatter [tilespmem:s17], [sflag:$0x9], $0x2000, $0x38;
	[tilespmem:$0x16400] =	vst v63  }
0x82: {  	_ =	swait.ge [sflag:s19], $0x2000  }
0x83: {  	s11 =	rddreg [dreg:$0x6];
	[sflag:s19] =	ssyncset.done $0x0  }
0x84: {  	[sflag:s19] =	ssyncadd.s32 $0xFFFFE000;
	s11 =	sadd.s32 s10, s11  }
0x85: {  	[hbm4b:s11+s2] =	stream.linear.scatter [tilespmem:s18], [sflag:$0x9], $0x2000, $0x38;
	[tilespmem:$0x16400] =	vst v63  }
0x86: {  	_ =	swait.ge [sflag:s21], $0x2000  }
0x87: {  	s11 =	rddreg [dreg:$0x5];
	[sflag:s21] =	ssyncset.done $0x0  }
0x88: {  	[sflag:s21] =	ssyncadd.s32 $0xFFFFE000;
	s11 =	sadd.s32 s10, s11  }
0x89: {  	[hbm4b:s11+s2] =	stream.linear.scatter [tilespmem:s20], [sflag:$0x9], $0x2000, $0x38;
	[tilespmem:$0x16400] =	vst v63  }
0x8a: {  	_ =	swait.ge [sflag:s23], $0x2000  }
0x8b: {  	s11 =	rddreg [dreg:$0x4];
	[sflag:s23] =	ssyncset.done $0x0  }
0x8c: {  	[sflag:s23] =	ssyncadd.s32 $0xFFFFE000;
	s11 =	sadd.s32 s10, s11  }
0x8d: {  	[hbm4b:s11+s2] =	stream.linear.scatter [tilespmem:s22], [sflag:$0x9], $0x2000, $0x38;
	[tilespmem:$0x16400] =	vst v63  }
0x8e: {  	_ =	swait.ge [sflag:s25], $0x2000  }
0x8f: {  	[sflag:s25] =	ssyncset.done $0x0  }
0x90: {  	[sflag:s25] =	ssyncadd.s32 $0xFFFFE000  }
0x91: {  	_ =	swait.ge [sflag:s25], $0x2000  }
0x92: {  	[sflag:s25] =	ssyncset.done $0x0  }
0x93: {  	[sflag:s25] =	ssyncadd.s32 $0xFFFFE000  }
0x94: {  	_ =	swait.ge [sflag:s25], $0x2000  }
0x95: {  	[sflag:s25] =	ssyncset.done $0x0  }
0x96: {  	[sflag:s25] =	ssyncadd.s32 $0xFFFFE000  }
0x97: {  	_ =	swait.ge [sflag:s25], $0x2000  }
0x98: {  	[sflag:s25] =	ssyncset.done $0x0  }
0x99: {  	s11 =	sadd.s32 $0xFFFFFC80, s9;
	[sflag:s25] =	ssyncadd.s32 $0xFFFFE000  }
0x9a: {  	[tilespmem:s17], [sflag:$0x1] =	stream.indirect.gather [hbm4b:s3+s16], $0x40, s11, s16, $0xb8;
	[tilespmem:$0x16400] =	vst v63  }
0x9b: {  	s11 =	sadd.s32 $0xFFFFFD00, s9  }
0x9c: {  	[tilespmem:s18], [sflag:$0x2] =	stream.indirect.gather [hbm4b:s3+s16], $0x40, s11, s16, $0xb8;
	[tilespmem:$0x16400] =	vst v63  }
0x9d: {  	s11 =	sadd.s32 $0xFFFFFD80, s9  }
0x9e: {  	[tilespmem:s20], [sflag:$0x3] =	stream.indirect.gather [hbm4b:s3+s16], $0x40, s11, s16, $0xb8;
	[tilespmem:$0x16400] =	vst v63  }
0x9f: {  	s11 =	sadd.s32 $0xFFFFFE00, s9  }
0xa0: {  	[tilespmem:s22], [sflag:$0x4] =	stream.indirect.gather [hbm4b:s3+s16], $0x40, s11, s16, $0xb8;
	[tilespmem:$0x16400] =	vst v63  }
0xa1: {  	_ =	swait.ge [sflag:s28], $0x2000  }
0xa2: {  	s11 =	rddreg [dreg:$0x7];
	[sflag:s28] =	ssyncset.done $0x0  }
0xa3: {  	[sflag:s28] =	ssyncadd.s32 $0xFFFFE000;
	s11 =	sadd.s32 s10, s11  }
0xa4: {  	[hbm4b:s11+s2] =	stream.linear.scatter [tilespmem:s24], [sflag:$0xA], $0x2000, $0x38;
	[tilespmem:$0x16400] =	vst v63  }
0xa5: {  	_ =	swait.ge [sflag:s30], $0x2000  }
0xa6: {  	s11 =	rddreg [dreg:$0xa];
	[sflag:s30] =	ssyncset.done $0x0  }
0xa7: {  	[sflag:s30] =	ssyncadd.s32 $0xFFFFE000;
	s11 =	sadd.s32 s10, s11  }
0xa8: {  	[hbm4b:s11+s2] =	stream.linear.scatter [tilespmem:s26], [sflag:$0xA], $0x2000, $0x38;
	[tilespmem:$0x16400] =	vst v63  }
0xa9: {  	_ =	swait.ge [sflag:s1], $0x2000  }
0xaa: {  	s11 =	rddreg [dreg:$0x9];
	[sflag:s1] =	ssyncset.done $0x0  }
0xab: {  	[sflag:s1] =	ssyncadd.s32 $0xFFFFE000;
	s11 =	sadd.s32 s10, s11  }
0xac: {  	[hbm4b:s11+s2] =	stream.linear.scatter [tilespmem:s29], [sflag:$0xA], $0x2000, $0x38;
	[tilespmem:$0x16400] =	vst v63  }
0xad: {  	_ =	swait.ge [sflag:s4], $0x2000  }
0xae: {  	s11 =	rddreg [dreg:$0x8];
	[sflag:s4] =	ssyncset.done $0x0  }
0xaf: {  	[sflag:s4] =	ssyncadd.s32 $0xFFFFE000;
	s10 =	sadd.s32 s10, s11  }
0xb0: {  	[hbm4b:s10+s2] =	stream.linear.scatter [tilespmem:s31], [sflag:$0xA], $0x2000, $0x38;
	[tilespmem:$0x16400] =	vst v63  }
0xb1: {  	_ =	swait.ge [sflag:s5], $0x2000  }
0xb2: {  	[sflag:s5] =	ssyncset.done $0x0  }
0xb3: {  	[sflag:s5] =	ssyncadd.s32 $0xFFFFE000  }
0xb4: {  	_ =	swait.ge [sflag:s5], $0x2000  }
0xb5: {  	[sflag:s5] =	ssyncset.done $0x0  }
0xb6: {  	[sflag:s5] =	ssyncadd.s32 $0xFFFFE000  }
0xb7: {  	_ =	swait.ge [sflag:s5], $0x2000  }
0xb8: {  	[sflag:s5] =	ssyncset.done $0x0  }
0xb9: {  	[sflag:s5] =	ssyncadd.s32 $0xFFFFE000  }
0xba: {  	_ =	swait.ge [sflag:s5], $0x2000  }
0xbb: {  	[sflag:s5] =	ssyncset.done $0x0  }
0xbc: {  	p0 =	sne.s32 s8, $0x2E000;
	s11 =	sadd.s32 $0xFFFFFE80, s9;
	[sflag:s5] =	ssyncadd.s32 $0xFFFFE000  }
0xbd: {  	[tilespmem:s24], [sflag:$0x5] =	stream.indirect.gather [hbm4b:s3+s16], $0x40, s11, s16, $0xb8;
	[tilespmem:$0x16400] =	vst v63  }
.Ltmp0:
0xbe: {  	_ = 	snop;
	(pc) =	sbr.rel @p0 .LBB2_2-.Ltmp0, $4  }
0xbf: {  	s7 =	smov.u32 s9;
	s11 =	sadd.s32 $0xFFFFFF00, s9  }
0xc0: {  	[tilespmem:s26], [sflag:$0x6] =	stream.indirect.gather [hbm4b:s3+s16], $0x40, s11, s16, $0xb8;
	[tilespmem:$0x16400] =	vst v63  }
0xc1: {  	s8 =	sadd.s32 $0x2000, s8;
	s11 =	sadd.s32 $0xFFFFFF80, s9;
	s9 =	sadd.s32 $0x400, s9  }
0xc2: {  	[tilespmem:s29], [sflag:$0x7] =	stream.indirect.gather [hbm4b:s3+s16], $0x40, s11, s16, $0xb8;
	[tilespmem:$0x16400] =	vst v63  }
0xc3: {  	[tilespmem:s31], [sflag:$0x8] =	stream.indirect.gather [hbm4b:s3+s16], $0x40, s7, s16, $0xb8;
	[tilespmem:$0x16400] =	vst v63  }
0xc4: {  	_ =	swait.ge [sflag:s0], $0x2000  }
0xc5: {  	[sflag:s0] =	ssyncset.done $0x0  }
0xc6: {  	s10 =	rddreg [dreg:$0xd];
	[sflag:s0] =	ssyncadd.s32 $0xFFFFE000  }
0xc7: {  	[hbm4b:s10+s2] =	stream.linear.scatter [tilespmem:s17], [sflag:$0x9], $0x2000, $0x38;
	[tilespmem:$0x16400] =	vst v63  }
0xc8: {  	_ =	swait.ge [sflag:s19], $0x2000  }
0xc9: {  	[sflag:s19] =	ssyncset.done $0x0  }
0xca: {  	s11 =	rddreg [dreg:$0xe];
	[sflag:s19] =	ssyncadd.s32 $0xFFFFE000  }
0xcb: {  	[hbm4b:s11+s2] =	stream.linear.scatter [tilespmem:s18], [sflag:$0x9], $0x2000, $0x38;
	[tilespmem:$0x16400] =	vst v63  }
0xcc: {  	_ =	swait.ge [sflag:s21], $0x2000  }
0xcd: {  	[sflag:s21] =	ssyncset.done $0x0  }
0xce: {  	s8 =	rddreg [dreg:$0xf];
	[sflag:s21] =	ssyncadd.s32 $0xFFFFE000  }
0xcf: {  	[hbm4b:s8+s2] =	stream.linear.scatter [tilespmem:s20], [sflag:$0x9], $0x2000, $0x38;
	[tilespmem:$0x16400] =	vst v63  }
0xd0: {  	_ =	swait.ge [sflag:s23], $0x2000  }
0xd1: {  	[sflag:s23] =	ssyncset.done $0x0  }
0xd2: {  	s9 =	rddreg [dreg:$0x10];
	[sflag:s23] =	ssyncadd.s32 $0xFFFFE000  }
0xd3: {  	[hbm4b:s9+s2] =	stream.linear.scatter [tilespmem:s22], [sflag:$0x9], $0x2000, $0x38;
	[tilespmem:$0x16400] =	vst v63  }
0xd4: {  	_ =	swait.ge [sflag:s25], $0x2000  }
0xd5: {  	[sflag:s25] =	ssyncset.done $0x0  }
0xd6: {  	[sflag:s25] =	ssyncadd.s32 $0xFFFFE000  }
0xd7: {  	_ =	swait.ge [sflag:s25], $0x2000  }
0xd8: {  	[sflag:s25] =	ssyncset.done $0x0  }
0xd9: {  	[sflag:s25] =	ssyncadd.s32 $0xFFFFE000  }
0xda: {  	_ =	swait.ge [sflag:s25], $0x2000  }
0xdb: {  	[sflag:s25] =	ssyncset.done $0x0  }
0xdc: {  	[sflag:s25] =	ssyncadd.s32 $0xFFFFE000  }
0xdd: {  	_ =	swait.ge [sflag:s25], $0x2000  }
0xde: {  	[sflag:s25] =	ssyncset.done $0x0  }
0xdf: {  	[sflag:s25] =	ssyncadd.s32 $0xFFFFE000  }
0xe0: {  	_ =	swait.ge [sflag:s28], $0x2000  }
0xe1: {  	[sflag:s28] =	ssyncset.done $0x0  }
0xe2: {  	s10 =	rddreg [dreg:$0x11];
	[sflag:s28] =	ssyncadd.s32 $0xFFFFE000  }
0xe3: {  	[hbm4b:s10+s2] =	stream.linear.scatter [tilespmem:s24], [sflag:$0xA], $0x2000, $0x38;
	[tilespmem:$0x16400] =	vst v63  }
0xe4: {  	_ =	swait.ge [sflag:s30], $0x2000  }
0xe5: {  	[sflag:s30] =	ssyncset.done $0x0  }
0xe6: {  	s11 =	rddreg [dreg:$0x12];
	[sflag:s30] =	ssyncadd.s32 $0xFFFFE000  }
0xe7: {  	[hbm4b:s11+s2] =	stream.linear.scatter [tilespmem:s26], [sflag:$0xA], $0x2000, $0x38;
	[tilespmem:$0x16400] =	vst v63  }
0xe8: {  	_ =	swait.ge [sflag:s1], $0x2000  }
0xe9: {  	[sflag:s1] =	ssyncset.done $0x0  }
0xea: {  	[sflag:s1] =	ssyncadd.s32 $0xFFFFE000  }
0xeb: {  	[hbm4b:s12+s2] =	stream.linear.scatter [tilespmem:s29], [sflag:$0xA], $0x2000, $0x38;
	[tilespmem:$0x16400] =	vst v63  }
0xec: {  	_ =	swait.ge [sflag:s4], $0x2000  }
0xed: {  	[sflag:s4] =	ssyncset.done $0x0  }
0xee: {  	[sflag:s4] =	ssyncadd.s32 $0xFFFFE000  }
0xef: {  	[hbm4b:s13+s2] =	stream.linear.scatter [tilespmem:s31], [sflag:$0xA], $0x2000, $0x38;
	[tilespmem:$0x16400] =	vst v63  }
0xf0: {  	_ =	swait.ge [sflag:s5], $0x2000  }
0xf1: {  	[sflag:s5] =	ssyncset.done $0x0  }
0xf2: {  	[sflag:s5] =	ssyncadd.s32 $0xFFFFE000  }
0xf3: {  	_ =	swait.ge [sflag:s5], $0x2000  }
0xf4: {  	[sflag:s5] =	ssyncset.done $0x0  }
0xf5: {  	s6 =	sadd.s32 $0x1, s6;
	[sflag:s5] =	ssyncadd.s32 $0xFFFFE000  }
0xf6: {  	p0 =	sne.s32 s6, s14;
	_ =	swait.ge [sflag:s5], $0x2000  }
.Ltmp1:
0xf7: {  	[sflag:s5] =	ssyncset.done $0x0;
	(pc) =	sbr.rel @p0 .LBB2_1-.Ltmp1, $4  }
0xf8: {  	[sflag:s5] =	ssyncadd.s32 $0xFFFFE000  }
0xf9: {  	_ =	swait.ge [sflag:s5], $0x2000  }
0xfa: {  	[sflag:s5] =	ssyncset.done $0x0  }
0xfb: {  	[sflag:s5] =	ssyncadd.s32 $0xFFFFE000  }
0xfc: {  	_ =	sfence.sel $0x180000  }
0xfd: {  	[bflag:$0x0] =	sbarrier.arrive $0xFFFF  }
0xfe: {  	_ =	strace $0x90000047  }
0xff: {  	s0 =	stileid.u32;
	[bflag:$0x2] =	sbarrier.arrive $0xFFFF  }
0x100: {  	p0 =	sne.s32 s0, $0x0;
	s0 =	rddreg [dreg:$0x2]  }
0x101: {  	s0 =	sadd.s32 @!p0 $0x100000, s0  }
0x102: {  	[sflag:s0] =	ssyncadd.tile.s32 @!p0 $0x1;
	_ =	shalt  }
.Lfunc_end2:
_tile_overlayer_lowered:
.L_overlay_start_2:
0x103: {  	(tag) =	ssettag $0x2  }
0x104: {  	s0 =	rddreg [dreg:$0x0];
	s2 =	stileid.u32  }
0x105: {  	s1 =	rddreg [dreg:$0x1];
	p0 =	sne.s32 s2, $0x0  }
0x106: {  	s3 =	rddreg [dreg:$0x2];
	[bflag:$0x3] =	sbarrier.arrive $0xFFFF;
	s2 =	simm.s32 @!p0 $0x1C0B  }
0x107: {  	[timem:s3], [sflag:s2] =	dma.local @!p0 [hbm:s0], s1  }
0x108: {  	s0 =	simm.s32 @!p0 $0xB  }
0x109: {  	_ =	swait.ge @!p0 [sflag:s0], s1  }
0x10a: {  	s1 =	ssub.s32 @!p0 $0x0, s1;
	[sflag:s0] =	ssyncset.done @!p0 $0x0  }
0x10b: {  	[sflag:s0] =	ssyncadd.s32 @!p0 s1  }
0x10c: {  	[bflag:$0x3] =	sbarrier.arrive $0xFFFF  }
0x10d: {  	_ =	shalt  }

// kernel: sparse-core-data-format-call.cloned.1.call-start
scs
called_computation_lowered:
.L_overlay_start_0:
0x0: {  	s2 =	sld [smem:$0x3FD9]  }
0x1: {  	s3 =	sld [smem:$0x3FFE];
	_ =	sdelay $0x1  }
0x2: {  	s1 =	srdreg.scid  }
0x3: {  	s0 =	sand.u32 $0x1, s1  }
0x4: {  	s18 =	sshll.u32 s0, $0xA;
	s2 =	sadd.s32 s3, s2  }
0x5: {  	s2 =	sadd.s32 s2, s18  }
0x6: {  	[smem:$0x3FC6] =	sst s2  }
0x7: {  	_ = 	snop  }
0x8: {  	s2 =	sld [smem:$0x3FD0];
	(tm) =	ssettm $0x1  }
0x9: {  	s19 =	sld [smem:$0x3FFB];
	_ =	sdelay $0x3  }
0xa: {  	_ =	strace s19  }
0xb: {  	s3 =	sld [smem:$0x3FFC];
	_ =	sdelay $0x3  }
0xc: {  	_ =	strace s3  }
0xd: {  	s3 =	sld [smem:$0x3FFD];
	_ =	sdelay $0x3  }
0xe: {  	_ =	strace s3  }
0xf: {  	_ =	strace $0x8FFFFFFF  }
0x10: {  	s20 =	sld [smem:$0x3FDB];
	_ =	sdelay $0x1  }
0x11: {  	s4 =	simm.s32 $_scs_section_size  }
0x12: {  	s5 =	simm.s32 $_size__tile_overlayer_lowered;
	s6 =	simm.s32 $_tile_overlayer_lowered  }
0x13: {  	s23 =	simm.s32 $0x1BFF;
	s22 =	sshll.u32 s6, $0x1;
	s3 =	sadd.s32 s4, s20  }
0x14: {  	s7 =	simm.s32 $0x0;
	s21 =	sshll.u32 s5, $0x1;
	s5 =	sadd.s32 s22, s3  }
0x15: {  	[timem:s7], [sflag:s23] =	dma.local [hbm:s5], s21  }
0x16: {  	_ =	swait.ge [sflag:s23], s21  }
0x17: {  	s4 =	ssub.s32 $0x0, s21;
	[sflag:s23] =	ssyncset.done $0x0  }
0x18: {  	[sflag:s23] =	ssyncadd.s32 s4;
	_ =	sdelay $0x1  }
0x19: {  	s24 =	simm.s32 $0x1B8B  }
0x1a: {  	_ =	swait.ge [sflag:s24], $0x1  }
0x1b: {  	[sflag:s24] =	ssyncset.done $0x0  }
0x1c: {  	s26 =	simm.s32 $0x1B8E;
	s25 =	sld [smem:$0x3FFE];
	[sflag:s24] =	ssyncadd.s32 $0xFFFFFFFF  }
0x1d: {  	s27 =	simm.s32 $execute0_lowered;
	[smem:$0x3FD2] =	sst s26  }
0x1e: {  	s5 =	sshll.u32 s27, $0x1;
	_ =	strace $0x80000049;
	[dreg:$0x1] =	wrdreg $0xFFFFFFFF  }
0x1f: {  	s28 =	simm.s32 $_size_execute0_lowered;
	s3 =	sadd.s32 s3, s5;
	[dreg:$0x0] =	wrdreg $0x0  }
0x20: {  	s5 =	sshll.u32 s28, $0x1;
	[dreg:$0x2] =	wrdreg s3  }
0x21: {  	[dreg:$0x3] =	wrdreg s5  }
0x22: {  	[dreg:$0x4] =	wrdreg $0xC0  }
0x23: {  	_ =	task [dreg:s7], $0x5FFFF  }
0x24: {  	[dreg:$0x1] =	wrdreg $0xFFFFFFFF  }
0x25: {  	[dreg:$0x0] =	wrdreg $0x60  }
0x26: {  	[dreg:$0x2] =	wrdreg s25  }
0x27: {  	[dreg:$0x3] =	wrdreg s2  }
0x28: {  	[dreg:$0x4] =	wrdreg $0x9  }
0x29: {  	_ =	task.clear_ibuf [dreg:s7], $0x5FFFF;
	_ =	strace $0x90000049  }
0x2a: {  	s29 =	simm.s32 $0x9;
	_ =	strace $0x8000004B  }
0x2b: {  	_ =	swait.ge [sflag:s29], $0x1  }
0x2c: {  	[sflag:s29] =	ssyncadd.s32 $0xFFFFFFFF  }
0x2d: {  	_ =	strace $0x9000004B  }
0x2e: {  	_ =	sfence  }
0x2f: {  	s30 =	sld [smem:$0x0];
	_ =	sdelay $0x2  }
0x30: {  	s31 =	sshll.u32 s1, $0xD;
	s1 =	sshrl.u32 s1, $0x2  }
0x31: {  	s3 =	sand.u32 $0x4000, s31;
	s1 =	sadd.s32 s1, s30  }
0x32: {  	s0 =	sor.u32 s3, s0;
	s1 =	sshll.u32 s1, $0x11  }
0x33: {  	s0 =	sor.u32 s1, s0  }
0x34: {  	s0 =	sadd.s32 $0x8F2B, s0  }
0x35: {  	[sflag:s0] =	ssyncadd.remote.s32 $0x1  }
0x36: {  	_ =	sfence.sel $0xFFFF  }
0x37: {  	[dreg:$0x0] =	wrdreg $0xFFFFFFFF;
	(pc) =	sbr.abs _section_cstart, $3  }
0x38: {  	[dreg:$0x1] =	wrdreg $0xFFFFFFFF  }
0x39: {  	_ =	task.clear_ibuf [dreg:s7], $0x2FFFF;
	_ =	strace $0x9FFFFFFF  }
0x3a: {  	(tm) =	ssettm $0x7FFFFFFF  }
0x3b: {  	_ =	shalt  }
tec
execute0_lowered:
.L_overlay_start_1:
0x0: {  	(tag) =	ssettag $0x1  }
0x1: {  	s0 =	srdreg.scid  }
0x2: {  	s1 =	sshll.u32 s0, $0x4  }
0x3: {  	s4 =	rddreg [dreg:$0x0];
	s0 =	stileid.u32;
	s1 =	sand.u32 $0x10, s1  }
0x4: {  	s2 =	rddreg [dreg:$0x1];
	s7 =	simm.s32 $0x1;
	s1 =	sor.u32 s0, s1  }
0x5: {  	s8 =	simm.s32 $0x2;
	s11 =	simm.s32 $0x0;
	s3 =	sshll.u32 s1, $0x7  }
0x6: {  	s10 =	simm.s32 $0x0;
	s4 =	sadd.s32 $0xA00, s4;
	s6 =	ssub.s32 $0xC8000, s3  }
.Ltmp0:
0x7: {  	s1 =	rddreg [dreg:$0x2];
	s5 =	sand.u32 $0xF80, s6;
	(pc) =	sbr.rel .LBB1_1-.Ltmp0, $4  }
0x8: {  	_ =	strace $0x8000004A;
	s9 =	smov.u32 s3;
	p0 =	sne.s32 s5, $0x0  }
0x9: {  	s6 =	sshrl.u32 s6, $0xC;
	s5 =	simm.s32 $0x1;
	s7 =	simm.s32 @!p0 $0x0  }
0xa: {  	[sflag:s5] =	ssyncpa.u1 $0x0;
	p0 =	por $0x0, $0x0;
	s6 =	sadd.s32 s7, s6  }
0xb: {  	[sflag:s8] =	ssyncpa.u1 $0x0;
	s8 =	simm.s32 $0x640000;
	s7 =	sadd.s32 $0x1, s6  }
.LBB1_4:
0xc: {  	s14 =	sshll.u32 s11, $0x3  }
0xd: {  	s30 =	sand.u32 $0x7F, s11;
	s15 =	sand.u32 $0xFFFFFC00, s14  }
0xe: {  	s11 =	sor.u32 s30, s15  }
0xf: {  	s15 =	smulhi.u32 $0x51EB851F, s11  }
0x10: {  	s14 =	smulhi.u32 $0x51EB851F, s14  }
0x11: {  	s15 =	sshrl.u32 s15, $0x12  }
0x12: {  	s14 =	sshrl.u32 s14, $0x12;
	s15 =	smul.u32 $0xC8000, s15  }
0x13: {  	s14 =	sand.u32 $0x3F, s14  }
0x14: {  	s14 =	smul.u32 $0x19000, s14;
	s11 =	ssub.s32 s11, s15  }
0x15: {  	[tilespmem:s13+$0x810 ss:$0x81] =	vst.msk $0xffff, v2;
	s15 =	sand.u32 $0x7, s11  }
0x16: {  	[tilespmem:s13+$0x1020 ss:$0x81] =	vst.msk $0xffff, v0;
	s14 =	sadd.s32 s2, s14;
	s11 =	sshrl.u32 s11, $0x3;
	s15 =	sshll.u32 s15, $0x12  }
0x17: {  	[tilespmem:s13+$0x0 ss:$0x81] =	vst.msk $0xffff, v1;
	s11 =	sadd.s32 s11, s14;
	s31 =	sor.u32 $0x400, s15  }
0x18: {  	[hbm4b:s11+s31] =	stream.strided.scatter [tilespmem:s12], [sflag:$0x2], $0x2000, s8, s31, $0x20;
	[tilespmem:$0x8080] =	vst v63  }
.LBB1_5:
0x19: {  	s13 =	sadd.s32 $0x1000, s9  }
0x1a: {  	p2 =	sgt.s32 s13, $0xC7FFF  }
0x1b: {  	s13 =	smov.u32 @p2 s3;
	p2 =	sne.s32 s10, s7  }
.Ltmp1:
0x1c: {  	p1 =	slt.u32 s10, $0x2;
	(pc) =	sbr.rel @!p2 .LBB1_6-.Ltmp1, $4  }
0x1d: {  	s12 =	simm.s32 @!p1 $0x2  }
0x1e: {  	s14 =	sadd.s32 $0x1, s10;
	_ =	swait.ge @!p1 [sflag:s12], $0x2000  }
0x1f: {  	s11 =	smov.u32 s9;
	p0 =	por !p0, !p0;
	[sflag:s12] =	ssyncset.done @!p1 $0x0  }
0x20: {  	s10 =	smov.u32 s14;
	s9 =	smov.u32 s13;
	[sflag:s12] =	ssyncadd.s32 @!p1 $0xFFFFE000  }
.LBB1_1:
0x21: {  	p1 =	sge.u32 s10, s6  }
0x22: {  	s12 =	sand.u32 @!p1 $0x1FFFFFF, s9  }
0x23: {  	s13 =	smulhi.u32 @!p1 $0x147AE15, s12;
	_ =	sdelay $0x1  }
0x24: {  	s13 =	sshrl.u32 @!p1 s13, $0xC  }
0x25: {  	s13 =	smul.u32 @!p1 $0xC8000, s13;
	_ =	sdelay $0x1  }
0x26: {  	s31 =	sadd.s32 $0xFFFFFFFF, s10;
	s14 =	sxor.u32 @!p1 $0xFFFFFFFF, s10;
	s12 =	ssub.s32 @!p1 s12, s13  }
0x27: {  	s15 =	simm.s32 @!p1 $0x80;
	s14 =	sshll.u32 @!p1 s14, $0xD;
	s12 =	sshll.u32 @!p1 s12, $0x4  }
0x28: {  	s13 =	sand.u32 @!p1 $0x2000, s14;
	s14 =	simm.s32 @!p1 $0x40;
	s12 =	sadd.s32 @!p1 s4, s12  }
0x29: {  	[tilespmem:s13], [sflag:$0x1] =	stream.strided.gather @!p1 [hbm4b:s12+s14], $0x2000, s15, s14, $0x38;
	[tilespmem:$0x8080] =	vst v63  }
0x2a: {  	p1 =	sge.u32 s31, s6  }
.Ltmp2:
0x2b: {  	_ = 	snop;
	(pc) =	sbr.rel @p1 .LBB1_5-.Ltmp2, $1  }
0x2c: {  	_ =	sdelay $0x3  }
0x2d: {  	s12 =	simm.s32 $0x1  }
0x2e: {  	_ =	swait.ge [sflag:s5], $0x2000;
	s12 =	simm.s32 @!p0 $0x0  }
0x2f: {  	[sflag:s5] =	ssyncset.done $0x0;
	s13 =	sshll.u32 s12, $0xD  }
0x30: {  	[sflag:s5] =	ssyncadd.s32 $0xFFFFE000;
	s16 =	sor.u32 $0x20, s13  }
0x31: {  	s12 =	smul.u32 $0x8100, s12;
	v3 =	vld [tilespmem:s16+$0x10]  }
0x32: {  	s30 =	sand.u32 $0x1, s10;
	v2 =	vld [tilespmem:s16+$0xFFFFFFF0]  }
0x33: {  	s13 =	smul.u32 $0x8100, s30;
	s12 =	sshrl.u32 s12, $0x2;
	v0 =	vld [tilespmem:s16+$0x0]  }
0x34: {  	v1 =	vld [tilespmem:s16+$0xFFFFFFE0];
	s14 =	sor.u32 $0x4000, s12  }
0x35: {  	s31 =	sshrl.u32 s13, $0x2;
	s13 =	sadd.s32 $0x0, s14  }
0x36: {  	s15 =	simm.s32 $0x4;
	s16 =	sadd.s32 $0x40, s16;
	s12 =	sor.u32 $0x4000, s31;
	[tilespmem:s13+$0x1830 ss:$0x81] =	vst.msk $0xffff, v3  }
.LBB1_3:
0x37: {  	v3 =	vld [tilespmem:s16+$0x10];
	p1 =	sne.s32 s15, $0x1FC;
	[tilespmem:s13+$0x810 ss:$0x81] =	vst.msk $0xffff, v2;
	s17 =	smov.u32 s15;
	s15 =	sadd.s32 $0x4, s15  }
.Ltmp3:
0x38: {  	v2 =	vld [tilespmem:s16+$0xFFFFFFF0];
	[tilespmem:s13+$0x1020 ss:$0x81] =	vst.msk $0xffff, v0;
	(pc) =	sbr.rel @p1 .LBB1_3-.Ltmp3, $4  }
0x39: {  	v0 =	vld [tilespmem:s16+$0x0];
	[tilespmem:s13+$0x0 ss:$0x81] =	vst.msk $0xffff, v1  }
0x3a: {  	s13 =	sshra.s32 s17, $0x2;
	v1 =	vld [tilespmem:s16+$0xFFFFFFE0]  }
0x3b: {  	s13 =	sadd.s32 s13, s14  }
0x3c: {  	s16 =	sadd.s32 $0x40, s16;
	[tilespmem:s13+$0x1830 ss:$0x81] =	vst.msk $0xffff, v3  }
.Ltmp4:
0x3d: {  	_ = 	snop;
	(pc) =	sbr.rel .LBB1_4-.Ltmp4, $1  }
0x3e: {  	_ =	sdelay $0x3  }
.LBB1_6:
0x3f: {  	_ =	sfence.sel $0x180000  }
0x40: {  	s2 =	simm.s32 $0x1;
	[bflag:$0x0] =	sbarrier.arrive $0xFFFF  }
0x41: {  	s31 =	simm.s32 $0x2;
	[sflag:s2] =	ssyncpa.u1 $0x1  }
0x42: {  	[sflag:s31] =	ssyncpa.u1 $0x1  }
0x43: {  	p0 =	sne.s32 s0, $0x0;
	_ =	strace $0x9000004A  }
0x44: {  	s0 =	sadd.s32 @!p0 $0x100000, s1;
	[bflag:$0x2] =	sbarrier.arrive $0xFFFF  }
0x45: {  	[sflag:s0] =	ssyncadd.tile.s32 @!p0 $0x1;
	_ =	shalt  }
.Lfunc_end1:
_tile_overlayer_lowered:
.L_overlay_start_2:
0x46: {  	(tag) =	ssettag $0x2  }
0x47: {  	s0 =	rddreg [dreg:$0x0];
	s2 =	stileid.u32  }
0x48: {  	s1 =	rddreg [dreg:$0x1];
	p0 =	sne.s32 s2, $0x0  }
0x49: {  	s3 =	rddreg [dreg:$0x2];
	[bflag:$0x3] =	sbarrier.arrive $0xFFFF;
	s2 =	simm.s32 @!p0 $0x1C01  }
0x4a: {  	[timem:s3], [sflag:s2] =	dma.local @!p0 [hbm:s0], s1  }
0x4b: {  	s0 =	simm.s32 @!p0 $0x1  }
0x4c: {  	_ =	swait.ge @!p0 [sflag:s0], s1  }
0x4d: {  	s1 =	ssub.s32 @!p0 $0x0, s1;
	[sflag:s0] =	ssyncset.done @!p0 $0x0  }
0x4e: {  	[sflag:s0] =	ssyncadd.s32 @!p0 s1  }
0x4f: {  	[bflag:$0x3] =	sbarrier.arrive $0xFFFF  }
0x50: {  	_ =	shalt  }

</sc_bundles>
